<compile_context>
chip_gen: v7x
topology: tpu7x:2x2x1
jax: 0.10.2.dev20260603
libtpu: 0.0.44.dev20260713+nightly
codegen_flags: <defaults>
</compile_context>

<pallas_src>
import functools

import jax
import jax.numpy as jnp
from jax import lax
from jax.experimental import pallas as pl
from jax.experimental.pallas import tpu as pltpu
from jax.experimental.pallas import tpu_sc as plsc

N_NODES = 10000
N_EDGES = 320000
H = 128

NC = 2
NS = 16
NW = NC * NS
B = 128
NCH = N_EDGES // B
CPW_MAX = -(-NCH // NW)
NBUF = 2
RPT = N_NODES // NS
ZR = 25
assert N_EDGES % B == 0 and RPT % ZR == 0


def _sc_scatter_partials(col2d, edge_attr):
    mesh = plsc.VectorSubcoreMesh(core_axis_name="c", subcore_axis_name="s")

    @functools.partial(
        pl.kernel,
        out_type=jax.ShapeDtypeStruct((NC, N_NODES, H), jnp.float32),
        mesh=mesh,
        scratch_types=[
            pltpu.VMEM((CPW_MAX, B), jnp.int32),
            pltpu.VMEM((NBUF, B, H), jnp.float32),
            pltpu.VMEM((ZR, H), jnp.float32),
            pltpu.VMEM_SHARED((N_NODES, H), jnp.float32),
            pltpu.SemaphoreType.DMA,
            pltpu.SemaphoreType.DMA,
            [pltpu.SemaphoreType.DMA] * NBUF,
        ],
        compiler_params=pltpu.CompilerParams(use_tc_tiling_on_sc=False),
    )
    def k(col_hbm, ea_hbm, out_hbm, idx_v, rows_v, zbuf, agg_sh, si, sz,
          sd):
        cid = lax.axis_index("c")
        sid = lax.axis_index("s")
        wid = cid * NS + sid
        c0 = (wid * NCH) // NW
        nc = ((wid + 1) * NCH) // NW - c0

        pltpu.async_copy(col_hbm.at[pl.ds(c0, CPW_MAX)], idx_v, si)

        zv = jnp.zeros((16,), jnp.float32)

        def _zrow(i, _):
            for j in range(H // 16):
                zbuf[i, pl.ds(j * 16, 16)] = zv
            return 0

        lax.fori_loop(0, ZR, _zrow, 0)
        for z in range(RPT // ZR):
            pltpu.async_copy(zbuf, agg_sh.at[pl.ds(sid * RPT + z * ZR, ZR)],
                             sz)
        for z in range(RPT // ZR):
            pltpu.make_async_copy(
                zbuf, agg_sh.at[pl.ds(sid * RPT + z * ZR, ZR)], sz).wait()
        pltpu.make_async_copy(col_hbm.at[pl.ds(c0, CPW_MAX)], idx_v, si).wait()
        plsc.subcore_barrier()

        for b in range(NBUF):
            pltpu.async_copy(ea_hbm.at[pl.ds((c0 + b) * B, B)],
                             rows_v.at[b], sd[b])

        def _step(kk, _):
            for b in range(NBUF):
                j = NBUF * kk + b
                pltpu.make_async_copy(ea_hbm.at[pl.ds((c0 + j) * B, B)],
                                      rows_v.at[b], sd[b]).wait()
                pltpu.sync_copy(rows_v.at[b], agg_sh.at[idx_v.at[j]],
                                add=True)

                @pl.when(j + NBUF < nc)
                def _():
                    pltpu.async_copy(
                        ea_hbm.at[pl.ds((c0 + j + NBUF) * B, B)],
                        rows_v.at[b], sd[b])
            return 0

        lax.fori_loop(0, (NCH // NW) // NBUF, _step, 0)

        @pl.when(nc > NBUF * ((NCH // NW) // NBUF))
        def _():
            j = NBUF * ((NCH // NW) // NBUF)
            pltpu.make_async_copy(ea_hbm.at[pl.ds((c0 + j) * B, B)],
                                  rows_v.at[j % NBUF], sd[j % NBUF]).wait()
            pltpu.sync_copy(rows_v.at[j % NBUF], agg_sh.at[idx_v.at[j]],
                            add=True)

        plsc.subcore_barrier()

        pltpu.sync_copy(agg_sh.at[pl.ds(sid * RPT, RPT)],
                        out_hbm.at[cid].at[pl.ds(sid * RPT, RPT)])

    return k(col2d, edge_attr)


def _mlp_a_body(x_ref, w1x_ref, b1_ref, hx_ref):
    hx_ref[...] = (jnp.dot(x_ref[...], w1x_ref[...],
                           preferred_element_type=jnp.float32) + b1_ref[...])


def _mlp_a(x, w1x_t, b1):
    blk = 2000
    row_spec = pl.BlockSpec((blk, H), lambda i: (i, 0))
    return pl.pallas_call(
        _mlp_a_body,
        grid=(N_NODES // blk,),
        in_specs=[row_spec, pl.BlockSpec((H, H), lambda i: (0, 0)),
                  pl.BlockSpec((1, H), lambda i: (0, 0))],
        out_specs=row_spec,
        out_shape=jax.ShapeDtypeStruct((N_NODES, H), jnp.float32),
    )(x, w1x_t, b1)


def _mlp_b_body(hx_ref, p0_ref, p1_ref, w1a_ref, w2_ref, b2_ref, out_ref):
    agg = p0_ref[0] + p1_ref[0]
    h = hx_ref[...] + jnp.dot(agg, w1a_ref[...],
                              preferred_element_type=jnp.float32)
    h = jnp.maximum(h, 0.0)
    out_ref[...] = (jnp.dot(h, w2_ref[...],
                            preferred_element_type=jnp.float32) + b2_ref[...])


def _mlp_b(hx, partials, w1a_t, w2_t, b2):
    blk = 2000
    grid = (N_NODES // blk,)
    row_spec = pl.BlockSpec((blk, H), lambda i: (i, 0))
    p0_spec = pl.BlockSpec((1, blk, H), lambda i: (0, i, 0))
    p1_spec = pl.BlockSpec((1, blk, H), lambda i: (1, i, 0))
    full = pl.BlockSpec((H, H), lambda i: (0, 0))
    vec = pl.BlockSpec((1, H), lambda i: (0, 0))
    return pl.pallas_call(
        _mlp_b_body,
        grid=grid,
        in_specs=[row_spec, p0_spec, p1_spec, full, full, vec],
        out_specs=row_spec,
        out_shape=jax.ShapeDtypeStruct((N_NODES, H), jnp.float32),
    )(hx, partials, partials, w1a_t, w2_t, b2)


def kernel(x, edge_index, edge_attr, u, batch, W1, b1, W2, b2):
    del u, batch
    col2d = edge_index[1].reshape(NCH, B)
    w1t = W1.T
    hx = _mlp_a(x, w1t[:H], b1.reshape(1, H))
    partials = _sc_scatter_partials(col2d, edge_attr)
    return _mlp_b(hx, partials, w1t[H:], W2.T, b2.reshape(1, H))

# --- scband reference (transcript-rebuilt; emitter-appended) ---
"""Pipeline reference for scband-node-model-824633721180 (READ-ONLY COPY).

The authoritative reference and input builder live on the scoring server;
editing this copy changes nothing except your own understanding.
"""

import jax, jax.numpy as jnp
import numpy as np

N_NODES = 10000
N_EDGES = 320000
HIDDEN = 128


def setup_inputs(seed: int = 0) -> dict:
    key = jax.random.key(seed)
    ks = jax.random.split(key, 8)
    x = jax.random.normal(ks[0], (N_NODES, HIDDEN), dtype=jnp.float32)
    edge_index = jax.random.randint(ks[1], (2, N_EDGES), 0, N_NODES, dtype=jnp.int64 if jax.config.jax_enable_x64 else jnp.int32).astype(jnp.int32)
    edge_attr = jax.random.normal(ks[2], (N_EDGES, HIDDEN), dtype=jnp.float32)
    u = jax.random.normal(ks[3], (1, HIDDEN), dtype=jnp.float32)
    batch = jnp.zeros((N_NODES,), dtype=jnp.int32)
    # MLP params: Linear(2*H, H) -> ReLU -> Linear(H, H), torch layout weight [out, in]
    W1 = jax.random.normal(ks[4], (HIDDEN, 2 * HIDDEN), dtype=jnp.float32) * (1.0 / np.sqrt(2 * HIDDEN))
    b1 = jnp.zeros((HIDDEN,), dtype=jnp.float32)
    W2 = jax.random.normal(ks[5], (HIDDEN, HIDDEN), dtype=jnp.float32) * (1.0 / np.sqrt(HIDDEN))
    b2 = jnp.zeros((HIDDEN,), dtype=jnp.float32)
    return {"x": x, "edge_index": edge_index, "edge_attr": edge_attr, "u": u, "batch": batch, "W1": W1, "b1": b1, "W2": W2, "b2": b2}


def reference(x, edge_index, edge_attr, u, batch, W1, b1, W2, b2):
    # row, col = edge_index
    col = edge_index[1]
    # scatter_add(edge_attr, col, dim=0, dim_size=x.size(0))
    aggregated_messages = jnp.zeros((x.shape[0], edge_attr.shape[1]), dtype=edge_attr.dtype).at[col].add(edge_attr)
    combined_features = jnp.concatenate([x, aggregated_messages], axis=1)
    h = jax.nn.relu(combined_features @ W1.T + b1)
    out = h @ W2.T + b2
    return out


if False:  # reference __main__ guard neutralized (emitter)
    inp = setup_inputs()
    out = reference(**inp)
    print(out.shape, out.dtype)

if __name__ == "__main__":
    import jax
    _d = setup_inputs()
    print(jax.jit(kernel)(*tuple(_d.values())))

</pallas_src>

<mosaic_0001>
#map = affine_map<(d0, d1) -> (0, 0)>
#map1 = affine_map<(d0, d1) -> (0, 0, 0)>
module attributes {stable_mosaic.version = 14 : i64} {
  func.func @k(%arg0: i32, %arg1: i32, %arg2: memref<2500x128xi32, #tpu.memory_space<hbm>>, %arg3: memref<320000x128xf32, #tpu.memory_space<hbm>>, %arg4: memref<2x10000x128xf32, #tpu.memory_space<hbm>>, %arg5: memref<79x128xi32, #tpu.memory_space<vmem>>, %arg6: memref<2x128x128xf32, #tpu.memory_space<vmem>>, %arg7: memref<25x128xf32, #tpu.memory_space<vmem>>, %arg8: memref<10000x128xf32, #tpu.memory_space<vmem_shared>>, %arg9: memref<!tpu.dma_semaphore, #tpu.memory_space<semaphore_mem>>, %arg10: memref<!tpu.dma_semaphore, #tpu.memory_space<semaphore_mem>>, %arg11: memref<!tpu.dma_semaphore, #tpu.memory_space<semaphore_mem>>, %arg12: memref<!tpu.dma_semaphore, #tpu.memory_space<semaphore_mem>>) attributes {dimension_semantics = [#tpu.dimension_semantics<core_parallel>, #tpu.dimension_semantics<subcore_parallel>], iteration_bounds = array<i64: 2, 16>, scalar_prefetch = 0 : i64, scratch_operands = 8 : i64, tpu.core_type = #tpu.core_type<sc_vector_subcore>, window_params = [{transform_indices = #map}, {transform_indices = #map}, {transform_indices = #map1}]} {
    %mul3A = arith.constant 16 : i32
    %mul3A_0 = arith.muli %arg0, %mul3A : i32
    %add3A = arith.addi %mul3A_0, %arg1 : i32
    %mul3A_1 = arith.constant 2500 : i32
    %mul3A_2 = arith.muli %add3A, %mul3A_1 : i32
    %jit3A = arith.constant 32 : i32
    %div3A = arith.divsi %mul3A_2, %jit3A : i32
    %sign3A = arith.constant 0 : i32
    %sign3A_3 = arith.cmpi sgt, %mul3A_2, %sign3A : i32
    %sign3A_4 = arith.extui %sign3A_3 : i1 to i32
    %sign3A_5 = arith.constant 0 : i32
    %sign3A_6 = arith.cmpi slt, %mul3A_2, %sign3A_5 : i32
    %sign3A_7 = arith.extui %sign3A_6 : i1 to i32
    %sign3A_8 = arith.subi %sign3A_4, %sign3A_7 : i32
    %sign3A_9 = arith.constant 0 : i32
    %sign3A_10 = arith.cmpi sgt, %jit3A, %sign3A_9 : i32
    %sign3A_11 = arith.extui %sign3A_10 : i1 to i32
    %sign3A_12 = arith.constant 0 : i32
    %sign3A_13 = arith.cmpi slt, %jit3A, %sign3A_12 : i32
    %sign3A_14 = arith.extui %sign3A_13 : i1 to i32
    %sign3A_15 = arith.subi %sign3A_11, %sign3A_14 : i32
    %ne3A = arith.cmpi ne, %sign3A_8, %sign3A_15 : i32
    %rem3A = arith.remsi %mul3A_2, %jit3A : i32
    %ne3A_16 = arith.constant 0 : i32
    %ne3A_17 = arith.cmpi ne, %rem3A, %ne3A_16 : i32
    %and3A = arith.andi %ne3A, %ne3A_17 : i1
    %sub3A = arith.constant 1 : i32
    %sub3A_18 = arith.subi %div3A, %sub3A : i32
    %select_n3A = arith.select %and3A, %sub3A_18, %div3A : i32
    %add3A_19 = arith.constant 1 : i32
    %add3A_20 = arith.addi %add3A, %add3A_19 : i32
    %mul3A_21 = arith.constant 2500 : i32
    %mul3A_22 = arith.muli %add3A_20, %mul3A_21 : i32
    %jit3A_23 = arith.constant 32 : i32
    %div3A_24 = arith.divsi %mul3A_22, %jit3A_23 : i32
    %sign3A_25 = arith.constant 0 : i32
    %sign3A_26 = arith.cmpi sgt, %mul3A_22, %sign3A_25 : i32
    %sign3A_27 = arith.extui %sign3A_26 : i1 to i32
    %sign3A_28 = arith.constant 0 : i32
    %sign3A_29 = arith.cmpi slt, %mul3A_22, %sign3A_28 : i32
    %sign3A_30 = arith.extui %sign3A_29 : i1 to i32
    %sign3A_31 = arith.subi %sign3A_27, %sign3A_30 : i32
    %sign3A_32 = arith.constant 0 : i32
    %sign3A_33 = arith.cmpi sgt, %jit3A_23, %sign3A_32 : i32
    %sign3A_34 = arith.extui %sign3A_33 : i1 to i32
    %sign3A_35 = arith.constant 0 : i32
    %sign3A_36 = arith.cmpi slt, %jit3A_23, %sign3A_35 : i32
    %sign3A_37 = arith.extui %sign3A_36 : i1 to i32
    %sign3A_38 = arith.subi %sign3A_34, %sign3A_37 : i32
    %ne3A_39 = arith.cmpi ne, %sign3A_31, %sign3A_38 : i32
    %rem3A_40 = arith.remsi %mul3A_22, %jit3A_23 : i32
    %ne3A_41 = arith.constant 0 : i32
    %ne3A_42 = arith.cmpi ne, %rem3A_40, %ne3A_41 : i32
    %and3A_43 = arith.andi %ne3A_39, %ne3A_42 : i1
    %sub3A_44 = arith.constant 1 : i32
    %sub3A_45 = arith.subi %div3A_24, %sub3A_44 : i32
    %select_n3A_46 = arith.select %and3A_43, %sub3A_45, %div3A_24 : i32
    %sub3A_47 = arith.subi %select_n3A_46, %select_n3A : i32
    %dma_start3A = arith.constant 0 : i32
    %dma_start3A_48 = tpu.memref_slice %arg2[%select_n3A, %dma_start3A] : memref<2500x128xi32, #tpu.memory_space<hbm>> -> memref<79x128xi32, #tpu.memory_space<hbm>>
    %dma_start3A_49 = arith.constant 0 : i32
    %dma_start3A_50 = tpu.memref_slice %arg2[%select_n3A, %dma_start3A_49] : memref<2500x128xi32, #tpu.memory_space<hbm>> -> memref<79x128xi32, #tpu.memory_space<hbm>>
    tpu.enqueue_dma source(%dma_start3A_50 : memref<79x128xi32, #tpu.memory_space<hbm>>) target(%arg5 : memref<79x128xi32, #tpu.memory_space<vmem>>) target_semaphore(%arg9 : memref<!tpu.dma_semaphore, #tpu.memory_space<semaphore_mem>>)
    %broadcast_in_dim3A = arith.constant 0.000000e+00 : f32
    %broadcast_in_dim3A_51 = vector.broadcast %broadcast_in_dim3A : f32 to vector<16xf32>
    %scan3A = arith.constant 0 : i32
    %scan3A_52 = arith.constant 0 : i32
    %scan3A_53 = arith.constant 25 : i32
    %scan3A_54 = arith.addi %scan3A_52, %scan3A_53 : i32
    %scan3A_55 = arith.constant 1 : i32
    %scan3A_56 = scf.for %scan3A_509 = %scan3A_52 to %scan3A_54 step %scan3A_55 iter_args(%scan3A_510 = %scan3A) -> (i32)  : i32 {
      %swap3A = arith.index_cast %scan3A_509 : i32 to index
      %swap3A_511 = arith.constant 0 : index
      %swap3A_512 = tpu.vector_load %arg7[%swap3A, %swap3A_511] {strides = array<i32>} : memref<25x128xf32, #tpu.memory_space<vmem>>, vector<1x16xf32>,
      %swap3A_513 = vector.shape_cast %swap3A_512 : vector<1x16xf32> to vector<16xf32>
      %swap3A_514 = vector.shape_cast %broadcast_in_dim3A_51 : vector<16xf32> to vector<1x16xf32>
      tpu.vector_store %arg7[%swap3A, %swap3A_511], %swap3A_514 {strides = array<i32>} : memref<25x128xf32, #tpu.memory_space<vmem>>, vector<1x16xf32>,
      %swap3A_515 = arith.index_cast %scan3A_509 : i32 to index
      %swap3A_516 = arith.constant 16 : index
      %swap3A_517 = tpu.vector_load %arg7[%swap3A_515, %swap3A_516] {strides = array<i32>} : memref<25x128xf32, #tpu.memory_space<vmem>>, vector<1x16xf32>,
      %swap3A_518 = vector.shape_cast %swap3A_517 : vector<1x16xf32> to vector<16xf32>
      %swap3A_519 = vector.shape_cast %broadcast_in_dim3A_51 : vector<16xf32> to vector<1x16xf32>
      tpu.vector_store %arg7[%swap3A_515, %swap3A_516], %swap3A_519 {strides = array<i32>} : memref<25x128xf32, #tpu.memory_space<vmem>>, vector<1x16xf32>,
      %swap3A_520 = arith.index_cast %scan3A_509 : i32 to index
      %swap3A_521 = arith.constant 32 : index
      %swap3A_522 = tpu.vector_load %arg7[%swap3A_520, %swap3A_521] {strides = array<i32>} : memref<25x128xf32, #tpu.memory_space<vmem>>, vector<1x16xf32>,
      %swap3A_523 = vector.shape_cast %swap3A_522 : vector<1x16xf32> to vector<16xf32>
      %swap3A_524 = vector.shape_cast %broadcast_in_dim3A_51 : vector<16xf32> to vector<1x16xf32>
      tpu.vector_store %arg7[%swap3A_520, %swap3A_521], %swap3A_524 {strides = array<i32>} : memref<25x128xf32, #tpu.memory_space<vmem>>, vector<1x16xf32>,
      %swap3A_525 = arith.index_cast %scan3A_509 : i32 to index
      %swap3A_526 = arith.constant 48 : index
      %swap3A_527 = tpu.vector_load %arg7[%swap3A_525, %swap3A_526] {strides = array<i32>} : memref<25x128xf32, #tpu.memory_space<vmem>>, vector<1x16xf32>,
      %swap3A_528 = vector.shape_cast %swap3A_527 : vector<1x16xf32> to vector<16xf32>
      %swap3A_529 = vector.shape_cast %broadcast_in_dim3A_51 : vector<16xf32> to vector<1x16xf32>
      tpu.vector_store %arg7[%swap3A_525, %swap3A_526], %swap3A_529 {strides = array<i32>} : memref<25x128xf32, #tpu.memory_space<vmem>>, vector<1x16xf32>,
      %swap3A_530 = arith.index_cast %scan3A_509 : i32 to index
      %swap3A_531 = arith.constant 64 : index
      %swap3A_532 = tpu.vector_load %arg7[%swap3A_530, %swap3A_531] {strides = array<i32>} : memref<25x128xf32, #tpu.memory_space<vmem>>, vector<1x16xf32>,
      %swap3A_533 = vector.shape_cast %swap3A_532 : vector<1x16xf32> to vector<16xf32>
      %swap3A_534 = vector.shape_cast %broadcast_in_dim3A_51 : vector<16xf32> to vector<1x16xf32>
      tpu.vector_store %arg7[%swap3A_530, %swap3A_531], %swap3A_534 {strides = array<i32>} : memref<25x128xf32, #tpu.memory_space<vmem>>, vector<1x16xf32>,
      %swap3A_535 = arith.index_cast %scan3A_509 : i32 to index
      %swap3A_536 = arith.constant 80 : index
      %swap3A_537 = tpu.vector_load %arg7[%swap3A_535, %swap3A_536] {strides = array<i32>} : memref<25x128xf32, #tpu.memory_space<vmem>>, vector<1x16xf32>,
      %swap3A_538 = vector.shape_cast %swap3A_537 : vector<1x16xf32> to vector<16xf32>
      %swap3A_539 = vector.shape_cast %broadcast_in_dim3A_51 : vector<16xf32> to vector<1x16xf32>
      tpu.vector_store %arg7[%swap3A_535, %swap3A_536], %swap3A_539 {strides = array<i32>} : memref<25x128xf32, #tpu.memory_space<vmem>>, vector<1x16xf32>,
      %swap3A_540 = arith.index_cast %scan3A_509 : i32 to index
      %swap3A_541 = arith.constant 96 : index
      %swap3A_542 = tpu.vector_load %arg7[%swap3A_540, %swap3A_541] {strides = array<i32>} : memref<25x128xf32, #tpu.memory_space<vmem>>, vector<1x16xf32>,
      %swap3A_543 = vector.shape_cast %swap3A_542 : vector<1x16xf32> to vector<16xf32>
      %swap3A_544 = vector.shape_cast %broadcast_in_dim3A_51 : vector<16xf32> to vector<1x16xf32>
      tpu.vector_store %arg7[%swap3A_540, %swap3A_541], %swap3A_544 {strides = array<i32>} : memref<25x128xf32, #tpu.memory_space<vmem>>, vector<1x16xf32>,
      %swap3A_545 = arith.index_cast %scan3A_509 : i32 to index
      %swap3A_546 = arith.constant 112 : index
      %swap3A_547 = tpu.vector_load %arg7[%swap3A_545, %swap3A_546] {strides = array<i32>} : memref<25x128xf32, #tpu.memory_space<vmem>>, vector<1x16xf32>,
      %swap3A_548 = vector.shape_cast %swap3A_547 : vector<1x16xf32> to vector<16xf32>
      %swap3A_549 = vector.shape_cast %broadcast_in_dim3A_51 : vector<16xf32> to vector<1x16xf32>
      tpu.vector_store %arg7[%swap3A_545, %swap3A_546], %swap3A_549 {strides = array<i32>} : memref<25x128xf32, #tpu.memory_space<vmem>>, vector<1x16xf32>,
      %scan3A_550 = arith.constant 0 : i32
      scf.yield %scan3A_550 : i32
    }
    %scan3A_57 = arith.constant 25 : i32
    %mul3A_58 = arith.constant 625 : i32
    %mul3A_59 = arith.muli %arg1, %mul3A_58 : i32
    %add3A_60 = arith.constant 0 : i32
    %add3A_61 = arith.addi %mul3A_59, %add3A_60 : i32
    %dma_start3A_62 = arith.constant 0 : i32
    %dma_start3A_63 = tpu.memref_slice %arg8[%add3A_61, %dma_start3A_62] : memref<10000x128xf32, #tpu.memory_space<vmem_shared>> -> memref<25x128xf32, #tpu.memory_space<vmem_shared>>
    %dma_start3A_64 = arith.constant 0 : i32
    %dma_start3A_65 = tpu.memref_slice %arg8[%add3A_61, %dma_start3A_64] : memref<10000x128xf32, #tpu.memory_space<vmem_shared>> -> memref<25x128xf32, #tpu.memory_space<vmem_shared>>
    tpu.enqueue_dma source(%arg7 : memref<25x128xf32, #tpu.memory_space<vmem>>) target(%dma_start3A_65 : memref<25x128xf32, #tpu.memory_space<vmem_shared>>) target_semaphore(%arg10 : memref<!tpu.dma_semaphore, #tpu.memory_space<semaphore_mem>>)
    %mul3A_66 = arith.constant 625 : i32
    %mul3A_67 = arith.muli %arg1, %mul3A_66 : i32
    %add3A_68 = arith.constant 25 : i32
    %add3A_69 = arith.addi %mul3A_67, %add3A_68 : i32
    %dma_start3A_70 = arith.constant 0 : i32
    %dma_start3A_71 = tpu.memref_slice %arg8[%add3A_69, %dma_start3A_70] : memref<10000x128xf32, #tpu.memory_space<vmem_shared>> -> memref<25x128xf32, #tpu.memory_space<vmem_shared>>
    %dma_start3A_72 = arith.constant 0 : i32
    %dma_start3A_73 = tpu.memref_slice %arg8[%add3A_69, %dma_start3A_72] : memref<10000x128xf32, #tpu.memory_space<vmem_shared>> -> memref<25x128xf32, #tpu.memory_space<vmem_shared>>
    tpu.enqueue_dma source(%arg7 : memref<25x128xf32, #tpu.memory_space<vmem>>) target(%dma_start3A_73 : memref<25x128xf32, #tpu.memory_space<vmem_shared>>) target_semaphore(%arg10 : memref<!tpu.dma_semaphore, #tpu.memory_space<semaphore_mem>>)
    %mul3A_74 = arith.constant 625 : i32
    %mul3A_75 = arith.muli %arg1, %mul3A_74 : i32
    %add3A_76 = arith.constant 50 : i32
    %add3A_77 = arith.addi %mul3A_75, %add3A_76 : i32
    %dma_start3A_78 = arith.constant 0 : i32
    %dma_start3A_79 = tpu.memref_slice %arg8[%add3A_77, %dma_start3A_78] : memref<10000x128xf32, #tpu.memory_space<vmem_shared>> -> memref<25x128xf32, #tpu.memory_space<vmem_shared>>
    %dma_start3A_80 = arith.constant 0 : i32
    %dma_start3A_81 = tpu.memref_slice %arg8[%add3A_77, %dma_start3A_80] : memref<10000x128xf32, #tpu.memory_space<vmem_shared>> -> memref<25x128xf32, #tpu.memory_space<vmem_shared>>
    tpu.enqueue_dma source(%arg7 : memref<25x128xf32, #tpu.memory_space<vmem>>) target(%dma_start3A_81 : memref<25x128xf32, #tpu.memory_space<vmem_shared>>) target_semaphore(%arg10 : memref<!tpu.dma_semaphore, #tpu.memory_space<semaphore_mem>>)
    %mul3A_82 = arith.constant 625 : i32
    %mul3A_83 = arith.muli %arg1, %mul3A_82 : i32
    %add3A_84 = arith.constant 75 : i32
    %add3A_85 = arith.addi %mul3A_83, %add3A_84 : i32
    %dma_start3A_86 = arith.constant 0 : i32
    %dma_start3A_87 = tpu.memref_slice %arg8[%add3A_85, %dma_start3A_86] : memref<10000x128xf32, #tpu.memory_space<vmem_shared>> -> memref<25x128xf32, #tpu.memory_space<vmem_shared>>
    %dma_start3A_88 = arith.constant 0 : i32
    %dma_start3A_89 = tpu.memref_slice %arg8[%add3A_85, %dma_start3A_88] : memref<10000x128xf32, #tpu.memory_space<vmem_shared>> -> memref<25x128xf32, #tpu.memory_space<vmem_shared>>
    tpu.enqueue_dma source(%arg7 : memref<25x128xf32, #tpu.memory_space<vmem>>) target(%dma_start3A_89 : memref<25x128xf32, #tpu.memory_space<vmem_shared>>) target_semaphore(%arg10 : memref<!tpu.dma_semaphore, #tpu.memory_space<semaphore_mem>>)
    %mul3A_90 = arith.constant 625 : i32
    %mul3A_91 = arith.muli %arg1, %mul3A_90 : i32
    %add3A_92 = arith.constant 100 : i32
    %add3A_93 = arith.addi %mul3A_91, %add3A_92 : i32
    %dma_start3A_94 = arith.constant 0 : i32
    %dma_start3A_95 = tpu.memref_slice %arg8[%add3A_93, %dma_start3A_94] : memref<10000x128xf32, #tpu.memory_space<vmem_shared>> -> memref<25x128xf32, #tpu.memory_space<vmem_shared>>
    %dma_start3A_96 = arith.constant 0 : i32
    %dma_start3A_97 = tpu.memref_slice %arg8[%add3A_93, %dma_start3A_96] : memref<10000x128xf32, #tpu.memory_space<vmem_shared>> -> memref<25x128xf32, #tpu.memory_space<vmem_shared>>
    tpu.enqueue_dma source(%arg7 : memref<25x128xf32, #tpu.memory_space<vmem>>) target(%dma_start3A_97 : memref<25x128xf32, #tpu.memory_space<vmem_shared>>) target_semaphore(%arg10 : memref<!tpu.dma_semaphore, #tpu.memory_space<semaphore_mem>>)
    %mul3A_98 = arith.constant 625 : i32
    %mul3A_99 = arith.muli %arg1, %mul3A_98 : i32
    %add3A_100 = arith.constant 125 : i32
    %add3A_101 = arith.addi %mul3A_99, %add3A_100 : i32
    %dma_start3A_102 = arith.constant 0 : i32
    %dma_start3A_103 = tpu.memref_slice %arg8[%add3A_101, %dma_start3A_102] : memref<10000x128xf32, #tpu.memory_space<vmem_shared>> -> memref<25x128xf32, #tpu.memory_space<vmem_shared>>
    %dma_start3A_104 = arith.constant 0 : i32
    %dma_start3A_105 = tpu.memref_slice %arg8[%add3A_101, %dma_start3A_104] : memref<10000x128xf32, #tpu.memory_space<vmem_shared>> -> memref<25x128xf32, #tpu.memory_space<vmem_shared>>
    tpu.enqueue_dma source(%arg7 : memref<25x128xf32, #tpu.memory_space<vmem>>) target(%dma_start3A_105 : memref<25x128xf32, #tpu.memory_space<vmem_shared>>) target_semaphore(%arg10 : memref<!tpu.dma_semaphore, #tpu.memory_space<semaphore_mem>>)
    %mul3A_106 = arith.constant 625 : i32
    %mul3A_107 = arith.muli %arg1, %mul3A_106 : i32
    %add3A_108 = arith.constant 150 : i32
    %add3A_109 = arith.addi %mul3A_107, %add3A_108 : i32
    %dma_start3A_110 = arith.constant 0 : i32
    %dma_start3A_111 = tpu.memref_slice %arg8[%add3A_109, %dma_start3A_110] : memref<10000x128xf32, #tpu.memory_space<vmem_shared>> -> memref<25x128xf32, #tpu.memory_space<vmem_shared>>
    %dma_start3A_112 = arith.constant 0 : i32
    %dma_start3A_113 = tpu.memref_slice %arg8[%add3A_109, %dma_start3A_112] : memref<10000x128xf32, #tpu.memory_space<vmem_shared>> -> memref<25x128xf32, #tpu.memory_space<vmem_shared>>
    tpu.enqueue_dma source(%arg7 : memref<25x128xf32, #tpu.memory_space<vmem>>) target(%dma_start3A_113 : memref<25x128xf32, #tpu.memory_space<vmem_shared>>) target_semaphore(%arg10 : memref<!tpu.dma_semaphore, #tpu.memory_space<semaphore_mem>>)
    %mul3A_114 = arith.constant 625 : i32
    %mul3A_115 = arith.muli %arg1, %mul3A_114 : i32
    %add3A_116 = arith.constant 175 : i32
    %add3A_117 = arith.addi %mul3A_115, %add3A_116 : i32
    %dma_start3A_118 = arith.constant 0 : i32
    %dma_start3A_119 = tpu.memref_slice %arg8[%add3A_117, %dma_start3A_118] : memref<10000x128xf32, #tpu.memory_space<vmem_shared>> -> memref<25x128xf32, #tpu.memory_space<vmem_shared>>
    %dma_start3A_120 = arith.constant 0 : i32
    %dma_start3A_121 = tpu.memref_slice %arg8[%add3A_117, %dma_start3A_120] : memref<10000x128xf32, #tpu.memory_space<vmem_shared>> -> memref<25x128xf32, #tpu.memory_space<vmem_shared>>
    tpu.enqueue_dma source(%arg7 : memref<25x128xf32, #tpu.memory_space<vmem>>) target(%dma_start3A_121 : memref<25x128xf32, #tpu.memory_space<vmem_shared>>) target_semaphore(%arg10 : memref<!tpu.dma_semaphore, #tpu.memory_space<semaphore_mem>>)
    %mul3A_122 = arith.constant 625 : i32
    %mul3A_123 = arith.muli %arg1, %mul3A_122 : i32
    %add3A_124 = arith.constant 200 : i32
    %add3A_125 = arith.addi %mul3A_123, %add3A_124 : i32
    %dma_start3A_126 = arith.constant 0 : i32
    %dma_start3A_127 = tpu.memref_slice %arg8[%add3A_125, %dma_start3A_126] : memref<10000x128xf32, #tpu.memory_space<vmem_shared>> -> memref<25x128xf32, #tpu.memory_space<vmem_shared>>
    %dma_start3A_128 = arith.constant 0 : i32
    %dma_start3A_129 = tpu.memref_slice %arg8[%add3A_125, %dma_start3A_128] : memref<10000x128xf32, #tpu.memory_space<vmem_shared>> -> memref<25x128xf32, #tpu.memory_space<vmem_shared>>
    tpu.enqueue_dma source(%arg7 : memref<25x128xf32, #tpu.memory_space<vmem>>) target(%dma_start3A_129 : memref<25x128xf32, #tpu.memory_space<vmem_shared>>) target_semaphore(%arg10 : memref<!tpu.dma_semaphore, #tpu.memory_space<semaphore_mem>>)
    %mul3A_130 = arith.constant 625 : i32
    %mul3A_131 = arith.muli %arg1, %mul3A_130 : i32
    %add3A_132 = arith.constant 225 : i32
    %add3A_133 = arith.addi %mul3A_131, %add3A_132 : i32
    %dma_start3A_134 = arith.constant 0 : i32
    %dma_start3A_135 = tpu.memref_slice %arg8[%add3A_133, %dma_start3A_134] : memref<10000x128xf32, #tpu.memory_space<vmem_shared>> -> memref<25x128xf32, #tpu.memory_space<vmem_shared>>
    %dma_start3A_136 = arith.constant 0 : i32
    %dma_start3A_137 = tpu.memref_slice %arg8[%add3A_133, %dma_start3A_136] : memref<10000x128xf32, #tpu.memory_space<vmem_shared>> -> memref<25x128xf32, #tpu.memory_space<vmem_shared>>
    tpu.enqueue_dma source(%arg7 : memref<25x128xf32, #tpu.memory_space<vmem>>) target(%dma_start3A_137 : memref<25x128xf32, #tpu.memory_space<vmem_shared>>) target_semaphore(%arg10 : memref<!tpu.dma_semaphore, #tpu.memory_space<semaphore_mem>>)
    %mul3A_138 = arith.constant 625 : i32
    %mul3A_139 = arith.muli %arg1, %mul3A_138 : i32
    %add3A_140 = arith.constant 250 : i32
    %add3A_141 = arith.addi %mul3A_139, %add3A_140 : i32
    %dma_start3A_142 = arith.constant 0 : i32
    %dma_start3A_143 = tpu.memref_slice %arg8[%add3A_141, %dma_start3A_142] : memref<10000x128xf32, #tpu.memory_space<vmem_shared>> -> memref<25x128xf32, #tpu.memory_space<vmem_shared>>
    %dma_start3A_144 = arith.constant 0 : i32
    %dma_start3A_145 = tpu.memref_slice %arg8[%add3A_141, %dma_start3A_144] : memref<10000x128xf32, #tpu.memory_space<vmem_shared>> -> memref<25x128xf32, #tpu.memory_space<vmem_shared>>
    tpu.enqueue_dma source(%arg7 : memref<25x128xf32, #tpu.memory_space<vmem>>) target(%dma_start3A_145 : memref<25x128xf32, #tpu.memory_space<vmem_shared>>) target_semaphore(%arg10 : memref<!tpu.dma_semaphore, #tpu.memory_space<semaphore_mem>>)
    %mul3A_146 = arith.constant 625 : i32
    %mul3A_147 = arith.muli %arg1, %mul3A_146 : i32
    %add3A_148 = arith.constant 275 : i32
    %add3A_149 = arith.addi %mul3A_147, %add3A_148 : i32
    %dma_start3A_150 = arith.constant 0 : i32
    %dma_start3A_151 = tpu.memref_slice %arg8[%add3A_149, %dma_start3A_150] : memref<10000x128xf32, #tpu.memory_space<vmem_shared>> -> memref<25x128xf32, #tpu.memory_space<vmem_shared>>
    %dma_start3A_152 = arith.constant 0 : i32
    %dma_start3A_153 = tpu.memref_slice %arg8[%add3A_149, %dma_start3A_152] : memref<10000x128xf32, #tpu.memory_space<vmem_shared>> -> memref<25x128xf32, #tpu.memory_space<vmem_shared>>
    tpu.enqueue_dma source(%arg7 : memref<25x128xf32, #tpu.memory_space<vmem>>) target(%dma_start3A_153 : memref<25x128xf32, #tpu.memory_space<vmem_shared>>) target_semaphore(%arg10 : memref<!tpu.dma_semaphore, #tpu.memory_space<semaphore_mem>>)
    %mul3A_154 = arith.constant 625 : i32
    %mul3A_155 = arith.muli %arg1, %mul3A_154 : i32
    %add3A_156 = arith.constant 300 : i32
    %add3A_157 = arith.addi %mul3A_155, %add3A_156 : i32
    %dma_start3A_158 = arith.constant 0 : i32
    %dma_start3A_159 = tpu.memref_slice %arg8[%add3A_157, %dma_start3A_158] : memref<10000x128xf32, #tpu.memory_space<vmem_shared>> -> memref<25x128xf32, #tpu.memory_space<vmem_shared>>
    %dma_start3A_160 = arith.constant 0 : i32
    %dma_start3A_161 = tpu.memref_slice %arg8[%add3A_157, %dma_start3A_160] : memref<10000x128xf32, #tpu.memory_space<vmem_shared>> -> memref<25x128xf32, #tpu.memory_space<vmem_shared>>
    tpu.enqueue_dma source(%arg7 : memref<25x128xf32, #tpu.memory_space<vmem>>) target(%dma_start3A_161 : memref<25x128xf32, #tpu.memory_space<vmem_shared>>) target_semaphore(%arg10 : memref<!tpu.dma_semaphore, #tpu.memory_space<semaphore_mem>>)
    %mul3A_162 = arith.constant 625 : i32
    %mul3A_163 = arith.muli %arg1, %mul3A_162 : i32
    %add3A_164 = arith.constant 325 : i32
    %add3A_165 = arith.addi %mul3A_163, %add3A_164 : i32
    %dma_start3A_166 = arith.constant 0 : i32
    %dma_start3A_167 = tpu.memref_slice %arg8[%add3A_165, %dma_start3A_166] : memref<10000x128xf32, #tpu.memory_space<vmem_shared>> -> memref<25x128xf32, #tpu.memory_space<vmem_shared>>
    %dma_start3A_168 = arith.constant 0 : i32
    %dma_start3A_169 = tpu.memref_slice %arg8[%add3A_165, %dma_start3A_168] : memref<10000x128xf32, #tpu.memory_space<vmem_shared>> -> memref<25x128xf32, #tpu.memory_space<vmem_shared>>
    tpu.enqueue_dma source(%arg7 : memref<25x128xf32, #tpu.memory_space<vmem>>) target(%dma_start3A_169 : memref<25x128xf32, #tpu.memory_space<vmem_shared>>) target_semaphore(%arg10 : memref<!tpu.dma_semaphore, #tpu.memory_space<semaphore_mem>>)
    %mul3A_170 = arith.constant 625 : i32
    %mul3A_171 = arith.muli %arg1, %mul3A_170 : i32
    %add3A_172 = arith.constant 350 : i32
    %add3A_173 = arith.addi %mul3A_171, %add3A_172 : i32
    %dma_start3A_174 = arith.constant 0 : i32
    %dma_start3A_175 = tpu.memref_slice %arg8[%add3A_173, %dma_start3A_174] : memref<10000x128xf32, #tpu.memory_space<vmem_shared>> -> memref<25x128xf32, #tpu.memory_space<vmem_shared>>
    %dma_start3A_176 = arith.constant 0 : i32
    %dma_start3A_177 = tpu.memref_slice %arg8[%add3A_173, %dma_start3A_176] : memref<10000x128xf32, #tpu.memory_space<vmem_shared>> -> memref<25x128xf32, #tpu.memory_space<vmem_shared>>
    tpu.enqueue_dma source(%arg7 : memref<25x128xf32, #tpu.memory_space<vmem>>) target(%dma_start3A_177 : memref<25x128xf32, #tpu.memory_space<vmem_shared>>) target_semaphore(%arg10 : memref<!tpu.dma_semaphore, #tpu.memory_space<semaphore_mem>>)
    %mul3A_178 = arith.constant 625 : i32
    %mul3A_179 = arith.muli %arg1, %mul3A_178 : i32
    %add3A_180 = arith.constant 375 : i32
    %add3A_181 = arith.addi %mul3A_179, %add3A_180 : i32
    %dma_start3A_182 = arith.constant 0 : i32
    %dma_start3A_183 = tpu.memref_slice %arg8[%add3A_181, %dma_start3A_182] : memref<10000x128xf32, #tpu.memory_space<vmem_shared>> -> memref<25x128xf32, #tpu.memory_space<vmem_shared>>
    %dma_start3A_184 = arith.constant 0 : i32
    %dma_start3A_185 = tpu.memref_slice %arg8[%add3A_181, %dma_start3A_184] : memref<10000x128xf32, #tpu.memory_space<vmem_shared>> -> memref<25x128xf32, #tpu.memory_space<vmem_shared>>
    tpu.enqueue_dma source(%arg7 : memref<25x128xf32, #tpu.memory_space<vmem>>) target(%dma_start3A_185 : memref<25x128xf32, #tpu.memory_space<vmem_shared>>) target_semaphore(%arg10 : memref<!tpu.dma_semaphore, #tpu.memory_space<semaphore_mem>>)
    %mul3A_186 = arith.constant 625 : i32
    %mul3A_187 = arith.muli %arg1, %mul3A_186 : i32
    %add3A_188 = arith.constant 400 : i32
    %add3A_189 = arith.addi %mul3A_187, %add3A_188 : i32
    %dma_start3A_190 = arith.constant 0 : i32
    %dma_start3A_191 = tpu.memref_slice %arg8[%add3A_189, %dma_start3A_190] : memref<10000x128xf32, #tpu.memory_space<vmem_shared>> -> memref<25x128xf32, #tpu.memory_space<vmem_shared>>
    %dma_start3A_192 = arith.constant 0 : i32
    %dma_start3A_193 = tpu.memref_slice %arg8[%add3A_189, %dma_start3A_192] : memref<10000x128xf32, #tpu.memory_space<vmem_shared>> -> memref<25x128xf32, #tpu.memory_space<vmem_shared>>
    tpu.enqueue_dma source(%arg7 : memref<25x128xf32, #tpu.memory_space<vmem>>) target(%dma_start3A_193 : memref<25x128xf32, #tpu.memory_space<vmem_shared>>) target_semaphore(%arg10 : memref<!tpu.dma_semaphore, #tpu.memory_space<semaphore_mem>>)
    %mul3A_194 = arith.constant 625 : i32
    %mul3A_195 = arith.muli %arg1, %mul3A_194 : i32
    %add3A_196 = arith.constant 425 : i32
    %add3A_197 = arith.addi %mul3A_195, %add3A_196 : i32
    %dma_start3A_198 = arith.constant 0 : i32
    %dma_start3A_199 = tpu.memref_slice %arg8[%add3A_197, %dma_start3A_198] : memref<10000x128xf32, #tpu.memory_space<vmem_shared>> -> memref<25x128xf32, #tpu.memory_space<vmem_shared>>
    %dma_start3A_200 = arith.constant 0 : i32
    %dma_start3A_201 = tpu.memref_slice %arg8[%add3A_197, %dma_start3A_200] : memref<10000x128xf32, #tpu.memory_space<vmem_shared>> -> memref<25x128xf32, #tpu.memory_space<vmem_shared>>
    tpu.enqueue_dma source(%arg7 : memref<25x128xf32, #tpu.memory_space<vmem>>) target(%dma_start3A_201 : memref<25x128xf32, #tpu.memory_space<vmem_shared>>) target_semaphore(%arg10 : memref<!tpu.dma_semaphore, #tpu.memory_space<semaphore_mem>>)
    %mul3A_202 = arith.constant 625 : i32
    %mul3A_203 = arith.muli %arg1, %mul3A_202 : i32
    %add3A_204 = arith.constant 450 : i32
    %add3A_205 = arith.addi %mul3A_203, %add3A_204 : i32
    %dma_start3A_206 = arith.constant 0 : i32
    %dma_start3A_207 = tpu.memref_slice %arg8[%add3A_205, %dma_start3A_206] : memref<10000x128xf32, #tpu.memory_space<vmem_shared>> -> memref<25x128xf32, #tpu.memory_space<vmem_shared>>
    %dma_start3A_208 = arith.constant 0 : i32
    %dma_start3A_209 = tpu.memref_slice %arg8[%add3A_205, %dma_start3A_208] : memref<10000x128xf32, #tpu.memory_space<vmem_shared>> -> memref<25x128xf32, #tpu.memory_space<vmem_shared>>
    tpu.enqueue_dma source(%arg7 : memref<25x128xf32, #tpu.memory_space<vmem>>) target(%dma_start3A_209 : memref<25x128xf32, #tpu.memory_space<vmem_shared>>) target_semaphore(%arg10 : memref<!tpu.dma_semaphore, #tpu.memory_space<semaphore_mem>>)
    %mul3A_210 = arith.constant 625 : i32
    %mul3A_211 = arith.muli %arg1, %mul3A_210 : i32
    %add3A_212 = arith.constant 475 : i32
    %add3A_213 = arith.addi %mul3A_211, %add3A_212 : i32
    %dma_start3A_214 = arith.constant 0 : i32
    %dma_start3A_215 = tpu.memref_slice %arg8[%add3A_213, %dma_start3A_214] : memref<10000x128xf32, #tpu.memory_space<vmem_shared>> -> memref<25x128xf32, #tpu.memory_space<vmem_shared>>
    %dma_start3A_216 = arith.constant 0 : i32
    %dma_start3A_217 = tpu.memref_slice %arg8[%add3A_213, %dma_start3A_216] : memref<10000x128xf32, #tpu.memory_space<vmem_shared>> -> memref<25x128xf32, #tpu.memory_space<vmem_shared>>
    tpu.enqueue_dma source(%arg7 : memref<25x128xf32, #tpu.memory_space<vmem>>) target(%dma_start3A_217 : memref<25x128xf32, #tpu.memory_space<vmem_shared>>) target_semaphore(%arg10 : memref<!tpu.dma_semaphore, #tpu.memory_space<semaphore_mem>>)
    %mul3A_218 = arith.constant 625 : i32
    %mul3A_219 = arith.muli %arg1, %mul3A_218 : i32
    %add3A_220 = arith.constant 500 : i32
    %add3A_221 = arith.addi %mul3A_219, %add3A_220 : i32
    %dma_start3A_222 = arith.constant 0 : i32
    %dma_start3A_223 = tpu.memref_slice %arg8[%add3A_221, %dma_start3A_222] : memref<10000x128xf32, #tpu.memory_space<vmem_shared>> -> memref<25x128xf32, #tpu.memory_space<vmem_shared>>
    %dma_start3A_224 = arith.constant 0 : i32
    %dma_start3A_225 = tpu.memref_slice %arg8[%add3A_221, %dma_start3A_224] : memref<10000x128xf32, #tpu.memory_space<vmem_shared>> -> memref<25x128xf32, #tpu.memory_space<vmem_shared>>
    tpu.enqueue_dma source(%arg7 : memref<25x128xf32, #tpu.memory_space<vmem>>) target(%dma_start3A_225 : memref<25x128xf32, #tpu.memory_space<vmem_shared>>) target_semaphore(%arg10 : memref<!tpu.dma_semaphore, #tpu.memory_space<semaphore_mem>>)
    %mul3A_226 = arith.constant 625 : i32
    %mul3A_227 = arith.muli %arg1, %mul3A_226 : i32
    %add3A_228 = arith.constant 525 : i32
    %add3A_229 = arith.addi %mul3A_227, %add3A_228 : i32
    %dma_start3A_230 = arith.constant 0 : i32
    %dma_start3A_231 = tpu.memref_slice %arg8[%add3A_229, %dma_start3A_230] : memref<10000x128xf32, #tpu.memory_space<vmem_shared>> -> memref<25x128xf32, #tpu.memory_space<vmem_shared>>
    %dma_start3A_232 = arith.constant 0 : i32
    %dma_start3A_233 = tpu.memref_slice %arg8[%add3A_229, %dma_start3A_232] : memref<10000x128xf32, #tpu.memory_space<vmem_shared>> -> memref<25x128xf32, #tpu.memory_space<vmem_shared>>
    tpu.enqueue_dma source(%arg7 : memref<25x128xf32, #tpu.memory_space<vmem>>) target(%dma_start3A_233 : memref<25x128xf32, #tpu.memory_space<vmem_shared>>) target_semaphore(%arg10 : memref<!tpu.dma_semaphore, #tpu.memory_space<semaphore_mem>>)
    %mul3A_234 = arith.constant 625 : i32
    %mul3A_235 = arith.muli %arg1, %mul3A_234 : i32
    %add3A_236 = arith.constant 550 : i32
    %add3A_237 = arith.addi %mul3A_235, %add3A_236 : i32
    %dma_start3A_238 = arith.constant 0 : i32
    %dma_start3A_239 = tpu.memref_slice %arg8[%add3A_237, %dma_start3A_238] : memref<10000x128xf32, #tpu.memory_space<vmem_shared>> -> memref<25x128xf32, #tpu.memory_space<vmem_shared>>
    %dma_start3A_240 = arith.constant 0 : i32
    %dma_start3A_241 = tpu.memref_slice %arg8[%add3A_237, %dma_start3A_240] : memref<10000x128xf32, #tpu.memory_space<vmem_shared>> -> memref<25x128xf32, #tpu.memory_space<vmem_shared>>
    tpu.enqueue_dma source(%arg7 : memref<25x128xf32, #tpu.memory_space<vmem>>) target(%dma_start3A_241 : memref<25x128xf32, #tpu.memory_space<vmem_shared>>) target_semaphore(%arg10 : memref<!tpu.dma_semaphore, #tpu.memory_space<semaphore_mem>>)
    %mul3A_242 = arith.constant 625 : i32
    %mul3A_243 = arith.muli %arg1, %mul3A_242 : i32
    %add3A_244 = arith.constant 575 : i32
    %add3A_245 = arith.addi %mul3A_243, %add3A_244 : i32
    %dma_start3A_246 = arith.constant 0 : i32
    %dma_start3A_247 = tpu.memref_slice %arg8[%add3A_245, %dma_start3A_246] : memref<10000x128xf32, #tpu.memory_space<vmem_shared>> -> memref<25x128xf32, #tpu.memory_space<vmem_shared>>
    %dma_start3A_248 = arith.constant 0 : i32
    %dma_start3A_249 = tpu.memref_slice %arg8[%add3A_245, %dma_start3A_248] : memref<10000x128xf32, #tpu.memory_space<vmem_shared>> -> memref<25x128xf32, #tpu.memory_space<vmem_shared>>
    tpu.enqueue_dma source(%arg7 : memref<25x128xf32, #tpu.memory_space<vmem>>) target(%dma_start3A_249 : memref<25x128xf32, #tpu.memory_space<vmem_shared>>) target_semaphore(%arg10 : memref<!tpu.dma_semaphore, #tpu.memory_space<semaphore_mem>>)
    %mul3A_250 = arith.constant 625 : i32
    %mul3A_251 = arith.muli %arg1, %mul3A_250 : i32
    %add3A_252 = arith.constant 600 : i32
    %add3A_253 = arith.addi %mul3A_251, %add3A_252 : i32
    %dma_start3A_254 = arith.constant 0 : i32
    %dma_start3A_255 = tpu.memref_slice %arg8[%add3A_253, %dma_start3A_254] : memref<10000x128xf32, #tpu.memory_space<vmem_shared>> -> memref<25x128xf32, #tpu.memory_space<vmem_shared>>
    %dma_start3A_256 = arith.constant 0 : i32
    %dma_start3A_257 = tpu.memref_slice %arg8[%add3A_253, %dma_start3A_256] : memref<10000x128xf32, #tpu.memory_space<vmem_shared>> -> memref<25x128xf32, #tpu.memory_space<vmem_shared>>
    tpu.enqueue_dma source(%arg7 : memref<25x128xf32, #tpu.memory_space<vmem>>) target(%dma_start3A_257 : memref<25x128xf32, #tpu.memory_space<vmem_shared>>) target_semaphore(%arg10 : memref<!tpu.dma_semaphore, #tpu.memory_space<semaphore_mem>>)
    %mul3A_258 = arith.constant 625 : i32
    %mul3A_259 = arith.muli %arg1, %mul3A_258 : i32
    %add3A_260 = arith.constant 0 : i32
    %add3A_261 = arith.addi %mul3A_259, %add3A_260 : i32
    %dma_wait3A = arith.constant 0 : i32
    %dma_wait3A_262 = tpu.memref_slice %arg8[%add3A_261, %dma_wait3A] : memref<10000x128xf32, #tpu.memory_space<vmem_shared>> -> memref<25x128xf32, #tpu.memory_space<vmem_shared>>
    %dma_wait3A_263 = arith.constant 0 : i32
    %dma_wait3A_264 = tpu.memref_slice %arg8[%add3A_261, %dma_wait3A_263] : memref<10000x128xf32, #tpu.memory_space<vmem_shared>> -> memref<25x128xf32, #tpu.memory_space<vmem_shared>>
    tpu.wait_dma2 semaphore(%arg10 : memref<!tpu.dma_semaphore, #tpu.memory_space<semaphore_mem>>) src(%arg7 : memref<25x128xf32, #tpu.memory_space<vmem>>) dst(%dma_wait3A_264 : memref<25x128xf32, #tpu.memory_space<vmem_shared>>)
    %mul3A_265 = arith.constant 625 : i32
    %mul3A_266 = arith.muli %arg1, %mul3A_265 : i32
    %add3A_267 = arith.constant 25 : i32
    %add3A_268 = arith.addi %mul3A_266, %add3A_267 : i32
    %dma_wait3A_269 = arith.constant 0 : i32
    %dma_wait3A_270 = tpu.memref_slice %arg8[%add3A_268, %dma_wait3A_269] : memref<10000x128xf32, #tpu.memory_space<vmem_shared>> -> memref<25x128xf32, #tpu.memory_space<vmem_shared>>
    %dma_wait3A_271 = arith.constant 0 : i32
    %dma_wait3A_272 = tpu.memref_slice %arg8[%add3A_268, %dma_wait3A_271] : memref<10000x128xf32, #tpu.memory_space<vmem_shared>> -> memref<25x128xf32, #tpu.memory_space<vmem_shared>>
    tpu.wait_dma2 semaphore(%arg10 : memref<!tpu.dma_semaphore, #tpu.memory_space<semaphore_mem>>) src(%arg7 : memref<25x128xf32, #tpu.memory_space<vmem>>) dst(%dma_wait3A_272 : memref<25x128xf32, #tpu.memory_space<vmem_shared>>)
    %mul3A_273 = arith.constant 625 : i32
    %mul3A_274 = arith.muli %arg1, %mul3A_273 : i32
    %add3A_275 = arith.constant 50 : i32
    %add3A_276 = arith.addi %mul3A_274, %add3A_275 : i32
    %dma_wait3A_277 = arith.constant 0 : i32
    %dma_wait3A_278 = tpu.memref_slice %arg8[%add3A_276, %dma_wait3A_277] : memref<10000x128xf32, #tpu.memory_space<vmem_shared>> -> memref<25x128xf32, #tpu.memory_space<vmem_shared>>
    %dma_wait3A_279 = arith.constant 0 : i32
    %dma_wait3A_280 = tpu.memref_slice %arg8[%add3A_276, %dma_wait3A_279] : memref<10000x128xf32, #tpu.memory_space<vmem_shared>> -> memref<25x128xf32, #tpu.memory_space<vmem_shared>>
    tpu.wait_dma2 semaphore(%arg10 : memref<!tpu.dma_semaphore, #tpu.memory_space<semaphore_mem>>) src(%arg7 : memref<25x128xf32, #tpu.memory_space<vmem>>) dst(%dma_wait3A_280 : memref<25x128xf32, #tpu.memory_space<vmem_shared>>)
    %mul3A_281 = arith.constant 625 : i32
    %mul3A_282 = arith.muli %arg1, %mul3A_281 : i32
    %add3A_283 = arith.constant 75 : i32
    %add3A_284 = arith.addi %mul3A_282, %add3A_283 : i32
    %dma_wait3A_285 = arith.constant 0 : i32
    %dma_wait3A_286 = tpu.memref_slice %arg8[%add3A_284, %dma_wait3A_285] : memref<10000x128xf32, #tpu.memory_space<vmem_shared>> -> memref<25x128xf32, #tpu.memory_space<vmem_shared>>
    %dma_wait3A_287 = arith.constant 0 : i32
    %dma_wait3A_288 = tpu.memref_slice %arg8[%add3A_284, %dma_wait3A_287] : memref<10000x128xf32, #tpu.memory_space<vmem_shared>> -> memref<25x128xf32, #tpu.memory_space<vmem_shared>>
    tpu.wait_dma2 semaphore(%arg10 : memref<!tpu.dma_semaphore, #tpu.memory_space<semaphore_mem>>) src(%arg7 : memref<25x128xf32, #tpu.memory_space<vmem>>) dst(%dma_wait3A_288 : memref<25x128xf32, #tpu.memory_space<vmem_shared>>)
    %mul3A_289 = arith.constant 625 : i32
    %mul3A_290 = arith.muli %arg1, %mul3A_289 : i32
    %add3A_291 = arith.constant 100 : i32
    %add3A_292 = arith.addi %mul3A_290, %add3A_291 : i32
    %dma_wait3A_293 = arith.constant 0 : i32
    %dma_wait3A_294 = tpu.memref_slice %arg8[%add3A_292, %dma_wait3A_293] : memref<10000x128xf32, #tpu.memory_space<vmem_shared>> -> memref<25x128xf32, #tpu.memory_space<vmem_shared>>
    %dma_wait3A_295 = arith.constant 0 : i32
    %dma_wait3A_296 = tpu.memref_slice %arg8[%add3A_292, %dma_wait3A_295] : memref<10000x128xf32, #tpu.memory_space<vmem_shared>> -> memref<25x128xf32, #tpu.memory_space<vmem_shared>>
    tpu.wait_dma2 semaphore(%arg10 : memref<!tpu.dma_semaphore, #tpu.memory_space<semaphore_mem>>) src(%arg7 : memref<25x128xf32, #tpu.memory_space<vmem>>) dst(%dma_wait3A_296 : memref<25x128xf32, #tpu.memory_space<vmem_shared>>)
    %mul3A_297 = arith.constant 625 : i32
    %mul3A_298 = arith.muli %arg1, %mul3A_297 : i32
    %add3A_299 = arith.constant 125 : i32
    %add3A_300 = arith.addi %mul3A_298, %add3A_299 : i32
    %dma_wait3A_301 = arith.constant 0 : i32
    %dma_wait3A_302 = tpu.memref_slice %arg8[%add3A_300, %dma_wait3A_301] : memref<10000x128xf32, #tpu.memory_space<vmem_shared>> -> memref<25x128xf32, #tpu.memory_space<vmem_shared>>
    %dma_wait3A_303 = arith.constant 0 : i32
    %dma_wait3A_304 = tpu.memref_slice %arg8[%add3A_300, %dma_wait3A_303] : memref<10000x128xf32, #tpu.memory_space<vmem_shared>> -> memref<25x128xf32, #tpu.memory_space<vmem_shared>>
    tpu.wait_dma2 semaphore(%arg10 : memref<!tpu.dma_semaphore, #tpu.memory_space<semaphore_mem>>) src(%arg7 : memref<25x128xf32, #tpu.memory_space<vmem>>) dst(%dma_wait3A_304 : memref<25x128xf32, #tpu.memory_space<vmem_shared>>)
    %mul3A_305 = arith.constant 625 : i32
    %mul3A_306 = arith.muli %arg1, %mul3A_305 : i32
    %add3A_307 = arith.constant 150 : i32
    %add3A_308 = arith.addi %mul3A_306, %add3A_307 : i32
    %dma_wait3A_309 = arith.constant 0 : i32
    %dma_wait3A_310 = tpu.memref_slice %arg8[%add3A_308, %dma_wait3A_309] : memref<10000x128xf32, #tpu.memory_space<vmem_shared>> -> memref<25x128xf32, #tpu.memory_space<vmem_shared>>
    %dma_wait3A_311 = arith.constant 0 : i32
    %dma_wait3A_312 = tpu.memref_slice %arg8[%add3A_308, %dma_wait3A_311] : memref<10000x128xf32, #tpu.memory_space<vmem_shared>> -> memref<25x128xf32, #tpu.memory_space<vmem_shared>>
    tpu.wait_dma2 semaphore(%arg10 : memref<!tpu.dma_semaphore, #tpu.memory_space<semaphore_mem>>) src(%arg7 : memref<25x128xf32, #tpu.memory_space<vmem>>) dst(%dma_wait3A_312 : memref<25x128xf32, #tpu.memory_space<vmem_shared>>)
    %mul3A_313 = arith.constant 625 : i32
    %mul3A_314 = arith.muli %arg1, %mul3A_313 : i32
    %add3A_315 = arith.constant 175 : i32
    %add3A_316 = arith.addi %mul3A_314, %add3A_315 : i32
    %dma_wait3A_317 = arith.constant 0 : i32
    %dma_wait3A_318 = tpu.memref_slice %arg8[%add3A_316, %dma_wait3A_317] : memref<10000x128xf32, #tpu.memory_space<vmem_shared>> -> memref<25x128xf32, #tpu.memory_space<vmem_shared>>
    %dma_wait3A_319 = arith.constant 0 : i32
    %dma_wait3A_320 = tpu.memref_slice %arg8[%add3A_316, %dma_wait3A_319] : memref<10000x128xf32, #tpu.memory_space<vmem_shared>> -> memref<25x128xf32, #tpu.memory_space<vmem_shared>>
    tpu.wait_dma2 semaphore(%arg10 : memref<!tpu.dma_semaphore, #tpu.memory_space<semaphore_mem>>) src(%arg7 : memref<25x128xf32, #tpu.memory_space<vmem>>) dst(%dma_wait3A_320 : memref<25x128xf32, #tpu.memory_space<vmem_shared>>)
    %mul3A_321 = arith.constant 625 : i32
    %mul3A_322 = arith.muli %arg1, %mul3A_321 : i32
    %add3A_323 = arith.constant 200 : i32
    %add3A_324 = arith.addi %mul3A_322, %add3A_323 : i32
    %dma_wait3A_325 = arith.constant 0 : i32
    %dma_wait3A_326 = tpu.memref_slice %arg8[%add3A_324, %dma_wait3A_325] : memref<10000x128xf32, #tpu.memory_space<vmem_shared>> -> memref<25x128xf32, #tpu.memory_space<vmem_shared>>
    %dma_wait3A_327 = arith.constant 0 : i32
    %dma_wait3A_328 = tpu.memref_slice %arg8[%add3A_324, %dma_wait3A_327] : memref<10000x128xf32, #tpu.memory_space<vmem_shared>> -> memref<25x128xf32, #tpu.memory_space<vmem_shared>>
    tpu.wait_dma2 semaphore(%arg10 : memref<!tpu.dma_semaphore, #tpu.memory_space<semaphore_mem>>) src(%arg7 : memref<25x128xf32, #tpu.memory_space<vmem>>) dst(%dma_wait3A_328 : memref<25x128xf32, #tpu.memory_space<vmem_shared>>)
    %mul3A_329 = arith.constant 625 : i32
    %mul3A_330 = arith.muli %arg1, %mul3A_329 : i32
    %add3A_331 = arith.constant 225 : i32
    %add3A_332 = arith.addi %mul3A_330, %add3A_331 : i32
    %dma_wait3A_333 = arith.constant 0 : i32
    %dma_wait3A_334 = tpu.memref_slice %arg8[%add3A_332, %dma_wait3A_333] : memref<10000x128xf32, #tpu.memory_space<vmem_shared>> -> memref<25x128xf32, #tpu.memory_space<vmem_shared>>
    %dma_wait3A_335 = arith.constant 0 : i32
    %dma_wait3A_336 = tpu.memref_slice %arg8[%add3A_332, %dma_wait3A_335] : memref<10000x128xf32, #tpu.memory_space<vmem_shared>> -> memref<25x128xf32, #tpu.memory_space<vmem_shared>>
    tpu.wait_dma2 semaphore(%arg10 : memref<!tpu.dma_semaphore, #tpu.memory_space<semaphore_mem>>) src(%arg7 : memref<25x128xf32, #tpu.memory_space<vmem>>) dst(%dma_wait3A_336 : memref<25x128xf32, #tpu.memory_space<vmem_shared>>)
    %mul3A_337 = arith.constant 625 : i32
    %mul3A_338 = arith.muli %arg1, %mul3A_337 : i32
    %add3A_339 = arith.constant 250 : i32
    %add3A_340 = arith.addi %mul3A_338, %add3A_339 : i32
    %dma_wait3A_341 = arith.constant 0 : i32
    %dma_wait3A_342 = tpu.memref_slice %arg8[%add3A_340, %dma_wait3A_341] : memref<10000x128xf32, #tpu.memory_space<vmem_shared>> -> memref<25x128xf32, #tpu.memory_space<vmem_shared>>
    %dma_wait3A_343 = arith.constant 0 : i32
    %dma_wait3A_344 = tpu.memref_slice %arg8[%add3A_340, %dma_wait3A_343] : memref<10000x128xf32, #tpu.memory_space<vmem_shared>> -> memref<25x128xf32, #tpu.memory_space<vmem_shared>>
    tpu.wait_dma2 semaphore(%arg10 : memref<!tpu.dma_semaphore, #tpu.memory_space<semaphore_mem>>) src(%arg7 : memref<25x128xf32, #tpu.memory_space<vmem>>) dst(%dma_wait3A_344 : memref<25x128xf32, #tpu.memory_space<vmem_shared>>)
    %mul3A_345 = arith.constant 625 : i32
    %mul3A_346 = arith.muli %arg1, %mul3A_345 : i32
    %add3A_347 = arith.constant 275 : i32
    %add3A_348 = arith.addi %mul3A_346, %add3A_347 : i32
    %dma_wait3A_349 = arith.constant 0 : i32
    %dma_wait3A_350 = tpu.memref_slice %arg8[%add3A_348, %dma_wait3A_349] : memref<10000x128xf32, #tpu.memory_space<vmem_shared>> -> memref<25x128xf32, #tpu.memory_space<vmem_shared>>
    %dma_wait3A_351 = arith.constant 0 : i32
    %dma_wait3A_352 = tpu.memref_slice %arg8[%add3A_348, %dma_wait3A_351] : memref<10000x128xf32, #tpu.memory_space<vmem_shared>> -> memref<25x128xf32, #tpu.memory_space<vmem_shared>>
    tpu.wait_dma2 semaphore(%arg10 : memref<!tpu.dma_semaphore, #tpu.memory_space<semaphore_mem>>) src(%arg7 : memref<25x128xf32, #tpu.memory_space<vmem>>) dst(%dma_wait3A_352 : memref<25x128xf32, #tpu.memory_space<vmem_shared>>)
    %mul3A_353 = arith.constant 625 : i32
    %mul3A_354 = arith.muli %arg1, %mul3A_353 : i32
    %add3A_355 = arith.constant 300 : i32
    %add3A_356 = arith.addi %mul3A_354, %add3A_355 : i32
    %dma_wait3A_357 = arith.constant 0 : i32
    %dma_wait3A_358 = tpu.memref_slice %arg8[%add3A_356, %dma_wait3A_357] : memref<10000x128xf32, #tpu.memory_space<vmem_shared>> -> memref<25x128xf32, #tpu.memory_space<vmem_shared>>
    %dma_wait3A_359 = arith.constant 0 : i32
    %dma_wait3A_360 = tpu.memref_slice %arg8[%add3A_356, %dma_wait3A_359] : memref<10000x128xf32, #tpu.memory_space<vmem_shared>> -> memref<25x128xf32, #tpu.memory_space<vmem_shared>>
    tpu.wait_dma2 semaphore(%arg10 : memref<!tpu.dma_semaphore, #tpu.memory_space<semaphore_mem>>) src(%arg7 : memref<25x128xf32, #tpu.memory_space<vmem>>) dst(%dma_wait3A_360 : memref<25x128xf32, #tpu.memory_space<vmem_shared>>)
    %mul3A_361 = arith.constant 625 : i32
    %mul3A_362 = arith.muli %arg1, %mul3A_361 : i32
    %add3A_363 = arith.constant 325 : i32
    %add3A_364 = arith.addi %mul3A_362, %add3A_363 : i32
    %dma_wait3A_365 = arith.constant 0 : i32
    %dma_wait3A_366 = tpu.memref_slice %arg8[%add3A_364, %dma_wait3A_365] : memref<10000x128xf32, #tpu.memory_space<vmem_shared>> -> memref<25x128xf32, #tpu.memory_space<vmem_shared>>
    %dma_wait3A_367 = arith.constant 0 : i32
    %dma_wait3A_368 = tpu.memref_slice %arg8[%add3A_364, %dma_wait3A_367] : memref<10000x128xf32, #tpu.memory_space<vmem_shared>> -> memref<25x128xf32, #tpu.memory_space<vmem_shared>>
    tpu.wait_dma2 semaphore(%arg10 : memref<!tpu.dma_semaphore, #tpu.memory_space<semaphore_mem>>) src(%arg7 : memref<25x128xf32, #tpu.memory_space<vmem>>) dst(%dma_wait3A_368 : memref<25x128xf32, #tpu.memory_space<vmem_shared>>)
    %mul3A_369 = arith.constant 625 : i32
    %mul3A_370 = arith.muli %arg1, %mul3A_369 : i32
    %add3A_371 = arith.constant 350 : i32
    %add3A_372 = arith.addi %mul3A_370, %add3A_371 : i32
    %dma_wait3A_373 = arith.constant 0 : i32
    %dma_wait3A_374 = tpu.memref_slice %arg8[%add3A_372, %dma_wait3A_373] : memref<10000x128xf32, #tpu.memory_space<vmem_shared>> -> memref<25x128xf32, #tpu.memory_space<vmem_shared>>
    %dma_wait3A_375 = arith.constant 0 : i32
    %dma_wait3A_376 = tpu.memref_slice %arg8[%add3A_372, %dma_wait3A_375] : memref<10000x128xf32, #tpu.memory_space<vmem_shared>> -> memref<25x128xf32, #tpu.memory_space<vmem_shared>>
    tpu.wait_dma2 semaphore(%arg10 : memref<!tpu.dma_semaphore, #tpu.memory_space<semaphore_mem>>) src(%arg7 : memref<25x128xf32, #tpu.memory_space<vmem>>) dst(%dma_wait3A_376 : memref<25x128xf32, #tpu.memory_space<vmem_shared>>)
    %mul3A_377 = arith.constant 625 : i32
    %mul3A_378 = arith.muli %arg1, %mul3A_377 : i32
    %add3A_379 = arith.constant 375 : i32
    %add3A_380 = arith.addi %mul3A_378, %add3A_379 : i32
    %dma_wait3A_381 = arith.constant 0 : i32
    %dma_wait3A_382 = tpu.memref_slice %arg8[%add3A_380, %dma_wait3A_381] : memref<10000x128xf32, #tpu.memory_space<vmem_shared>> -> memref<25x128xf32, #tpu.memory_space<vmem_shared>>
    %dma_wait3A_383 = arith.constant 0 : i32
    %dma_wait3A_384 = tpu.memref_slice %arg8[%add3A_380, %dma_wait3A_383] : memref<10000x128xf32, #tpu.memory_space<vmem_shared>> -> memref<25x128xf32, #tpu.memory_space<vmem_shared>>
    tpu.wait_dma2 semaphore(%arg10 : memref<!tpu.dma_semaphore, #tpu.memory_space<semaphore_mem>>) src(%arg7 : memref<25x128xf32, #tpu.memory_space<vmem>>) dst(%dma_wait3A_384 : memref<25x128xf32, #tpu.memory_space<vmem_shared>>)
    %mul3A_385 = arith.constant 625 : i32
    %mul3A_386 = arith.muli %arg1, %mul3A_385 : i32
    %add3A_387 = arith.constant 400 : i32
    %add3A_388 = arith.addi %mul3A_386, %add3A_387 : i32
    %dma_wait3A_389 = arith.constant 0 : i32
    %dma_wait3A_390 = tpu.memref_slice %arg8[%add3A_388, %dma_wait3A_389] : memref<10000x128xf32, #tpu.memory_space<vmem_shared>> -> memref<25x128xf32, #tpu.memory_space<vmem_shared>>
    %dma_wait3A_391 = arith.constant 0 : i32
    %dma_wait3A_392 = tpu.memref_slice %arg8[%add3A_388, %dma_wait3A_391] : memref<10000x128xf32, #tpu.memory_space<vmem_shared>> -> memref<25x128xf32, #tpu.memory_space<vmem_shared>>
    tpu.wait_dma2 semaphore(%arg10 : memref<!tpu.dma_semaphore, #tpu.memory_space<semaphore_mem>>) src(%arg7 : memref<25x128xf32, #tpu.memory_space<vmem>>) dst(%dma_wait3A_392 : memref<25x128xf32, #tpu.memory_space<vmem_shared>>)
    %mul3A_393 = arith.constant 625 : i32
    %mul3A_394 = arith.muli %arg1, %mul3A_393 : i32
    %add3A_395 = arith.constant 425 : i32
    %add3A_396 = arith.addi %mul3A_394, %add3A_395 : i32
    %dma_wait3A_397 = arith.constant 0 : i32
    %dma_wait3A_398 = tpu.memref_slice %arg8[%add3A_396, %dma_wait3A_397] : memref<10000x128xf32, #tpu.memory_space<vmem_shared>> -> memref<25x128xf32, #tpu.memory_space<vmem_shared>>
    %dma_wait3A_399 = arith.constant 0 : i32
    %dma_wait3A_400 = tpu.memref_slice %arg8[%add3A_396, %dma_wait3A_399] : memref<10000x128xf32, #tpu.memory_space<vmem_shared>> -> memref<25x128xf32, #tpu.memory_space<vmem_shared>>
    tpu.wait_dma2 semaphore(%arg10 : memref<!tpu.dma_semaphore, #tpu.memory_space<semaphore_mem>>) src(%arg7 : memref<25x128xf32, #tpu.memory_space<vmem>>) dst(%dma_wait3A_400 : memref<25x128xf32, #tpu.memory_space<vmem_shared>>)
    %mul3A_401 = arith.constant 625 : i32
    %mul3A_402 = arith.muli %arg1, %mul3A_401 : i32
    %add3A_403 = arith.constant 450 : i32
    %add3A_404 = arith.addi %mul3A_402, %add3A_403 : i32
    %dma_wait3A_405 = arith.constant 0 : i32
    %dma_wait3A_406 = tpu.memref_slice %arg8[%add3A_404, %dma_wait3A_405] : memref<10000x128xf32, #tpu.memory_space<vmem_shared>> -> memref<25x128xf32, #tpu.memory_space<vmem_shared>>
    %dma_wait3A_407 = arith.constant 0 : i32
    %dma_wait3A_408 = tpu.memref_slice %arg8[%add3A_404, %dma_wait3A_407] : memref<10000x128xf32, #tpu.memory_space<vmem_shared>> -> memref<25x128xf32, #tpu.memory_space<vmem_shared>>
    tpu.wait_dma2 semaphore(%arg10 : memref<!tpu.dma_semaphore, #tpu.memory_space<semaphore_mem>>) src(%arg7 : memref<25x128xf32, #tpu.memory_space<vmem>>) dst(%dma_wait3A_408 : memref<25x128xf32, #tpu.memory_space<vmem_shared>>)
    %mul3A_409 = arith.constant 625 : i32
    %mul3A_410 = arith.muli %arg1, %mul3A_409 : i32
    %add3A_411 = arith.constant 475 : i32
    %add3A_412 = arith.addi %mul3A_410, %add3A_411 : i32
    %dma_wait3A_413 = arith.constant 0 : i32
    %dma_wait3A_414 = tpu.memref_slice %arg8[%add3A_412, %dma_wait3A_413] : memref<10000x128xf32, #tpu.memory_space<vmem_shared>> -> memref<25x128xf32, #tpu.memory_space<vmem_shared>>
    %dma_wait3A_415 = arith.constant 0 : i32
    %dma_wait3A_416 = tpu.memref_slice %arg8[%add3A_412, %dma_wait3A_415] : memref<10000x128xf32, #tpu.memory_space<vmem_shared>> -> memref<25x128xf32, #tpu.memory_space<vmem_shared>>
    tpu.wait_dma2 semaphore(%arg10 : memref<!tpu.dma_semaphore, #tpu.memory_space<semaphore_mem>>) src(%arg7 : memref<25x128xf32, #tpu.memory_space<vmem>>) dst(%dma_wait3A_416 : memref<25x128xf32, #tpu.memory_space<vmem_shared>>)
    %mul3A_417 = arith.constant 625 : i32
    %mul3A_418 = arith.muli %arg1, %mul3A_417 : i32
    %add3A_419 = arith.constant 500 : i32
    %add3A_420 = arith.addi %mul3A_418, %add3A_419 : i32
    %dma_wait3A_421 = arith.constant 0 : i32
    %dma_wait3A_422 = tpu.memref_slice %arg8[%add3A_420, %dma_wait3A_421] : memref<10000x128xf32, #tpu.memory_space<vmem_shared>> -> memref<25x128xf32, #tpu.memory_space<vmem_shared>>
    %dma_wait3A_423 = arith.constant 0 : i32
    %dma_wait3A_424 = tpu.memref_slice %arg8[%add3A_420, %dma_wait3A_423] : memref<10000x128xf32, #tpu.memory_space<vmem_shared>> -> memref<25x128xf32, #tpu.memory_space<vmem_shared>>
    tpu.wait_dma2 semaphore(%arg10 : memref<!tpu.dma_semaphore, #tpu.memory_space<semaphore_mem>>) src(%arg7 : memref<25x128xf32, #tpu.memory_space<vmem>>) dst(%dma_wait3A_424 : memref<25x128xf32, #tpu.memory_space<vmem_shared>>)
    %mul3A_425 = arith.constant 625 : i32
    %mul3A_426 = arith.muli %arg1, %mul3A_425 : i32
    %add3A_427 = arith.constant 525 : i32
    %add3A_428 = arith.addi %mul3A_426, %add3A_427 : i32
    %dma_wait3A_429 = arith.constant 0 : i32
    %dma_wait3A_430 = tpu.memref_slice %arg8[%add3A_428, %dma_wait3A_429] : memref<10000x128xf32, #tpu.memory_space<vmem_shared>> -> memref<25x128xf32, #tpu.memory_space<vmem_shared>>
    %dma_wait3A_431 = arith.constant 0 : i32
    %dma_wait3A_432 = tpu.memref_slice %arg8[%add3A_428, %dma_wait3A_431] : memref<10000x128xf32, #tpu.memory_space<vmem_shared>> -> memref<25x128xf32, #tpu.memory_space<vmem_shared>>
    tpu.wait_dma2 semaphore(%arg10 : memref<!tpu.dma_semaphore, #tpu.memory_space<semaphore_mem>>) src(%arg7 : memref<25x128xf32, #tpu.memory_space<vmem>>) dst(%dma_wait3A_432 : memref<25x128xf32, #tpu.memory_space<vmem_shared>>)
    %mul3A_433 = arith.constant 625 : i32
    %mul3A_434 = arith.muli %arg1, %mul3A_433 : i32
    %add3A_435 = arith.constant 550 : i32
    %add3A_436 = arith.addi %mul3A_434, %add3A_435 : i32
    %dma_wait3A_437 = arith.constant 0 : i32
    %dma_wait3A_438 = tpu.memref_slice %arg8[%add3A_436, %dma_wait3A_437] : memref<10000x128xf32, #tpu.memory_space<vmem_shared>> -> memref<25x128xf32, #tpu.memory_space<vmem_shared>>
    %dma_wait3A_439 = arith.constant 0 : i32
    %dma_wait3A_440 = tpu.memref_slice %arg8[%add3A_436, %dma_wait3A_439] : memref<10000x128xf32, #tpu.memory_space<vmem_shared>> -> memref<25x128xf32, #tpu.memory_space<vmem_shared>>
    tpu.wait_dma2 semaphore(%arg10 : memref<!tpu.dma_semaphore, #tpu.memory_space<semaphore_mem>>) src(%arg7 : memref<25x128xf32, #tpu.memory_space<vmem>>) dst(%dma_wait3A_440 : memref<25x128xf32, #tpu.memory_space<vmem_shared>>)
    %mul3A_441 = arith.constant 625 : i32
    %mul3A_442 = arith.muli %arg1, %mul3A_441 : i32
    %add3A_443 = arith.constant 575 : i32
    %add3A_444 = arith.addi %mul3A_442, %add3A_443 : i32
    %dma_wait3A_445 = arith.constant 0 : i32
    %dma_wait3A_446 = tpu.memref_slice %arg8[%add3A_444, %dma_wait3A_445] : memref<10000x128xf32, #tpu.memory_space<vmem_shared>> -> memref<25x128xf32, #tpu.memory_space<vmem_shared>>
    %dma_wait3A_447 = arith.constant 0 : i32
    %dma_wait3A_448 = tpu.memref_slice %arg8[%add3A_444, %dma_wait3A_447] : memref<10000x128xf32, #tpu.memory_space<vmem_shared>> -> memref<25x128xf32, #tpu.memory_space<vmem_shared>>
    tpu.wait_dma2 semaphore(%arg10 : memref<!tpu.dma_semaphore, #tpu.memory_space<semaphore_mem>>) src(%arg7 : memref<25x128xf32, #tpu.memory_space<vmem>>) dst(%dma_wait3A_448 : memref<25x128xf32, #tpu.memory_space<vmem_shared>>)
    %mul3A_449 = arith.constant 625 : i32
    %mul3A_450 = arith.muli %arg1, %mul3A_449 : i32
    %add3A_451 = arith.constant 600 : i32
    %add3A_452 = arith.addi %mul3A_450, %add3A_451 : i32
    %dma_wait3A_453 = arith.constant 0 : i32
    %dma_wait3A_454 = tpu.memref_slice %arg8[%add3A_452, %dma_wait3A_453] : memref<10000x128xf32, #tpu.memory_space<vmem_shared>> -> memref<25x128xf32, #tpu.memory_space<vmem_shared>>
    %dma_wait3A_455 = arith.constant 0 : i32
    %dma_wait3A_456 = tpu.memref_slice %arg8[%add3A_452, %dma_wait3A_455] : memref<10000x128xf32, #tpu.memory_space<vmem_shared>> -> memref<25x128xf32, #tpu.memory_space<vmem_shared>>
    tpu.wait_dma2 semaphore(%arg10 : memref<!tpu.dma_semaphore, #tpu.memory_space<semaphore_mem>>) src(%arg7 : memref<25x128xf32, #tpu.memory_space<vmem>>) dst(%dma_wait3A_456 : memref<25x128xf32, #tpu.memory_space<vmem_shared>>)
    %dma_wait3A_457 = arith.constant 0 : i32
    %dma_wait3A_458 = tpu.memref_slice %arg2[%select_n3A, %dma_wait3A_457] : memref<2500x128xi32, #tpu.memory_space<hbm>> -> memref<79x128xi32, #tpu.memory_space<hbm>>
    %dma_wait3A_459 = arith.constant 0 : i32
    %dma_wait3A_460 = tpu.memref_slice %arg2[%select_n3A, %dma_wait3A_459] : memref<2500x128xi32, #tpu.memory_space<hbm>> -> memref<79x128xi32, #tpu.memory_space<hbm>>
    tpu.wait_dma2 semaphore(%arg9 : memref<!tpu.dma_semaphore, #tpu.memory_space<semaphore_mem>>) src(%dma_wait3A_460 : memref<79x128xi32, #tpu.memory_space<hbm>>) dst(%arg5 : memref<79x128xi32, #tpu.memory_space<vmem>>)
    %barrier3A = arith.constant 0 : index
    tpu.barrier barrier_id(%barrier3A)
    %add3A_461 = arith.constant 0 : i32
    %add3A_462 = arith.addi %select_n3A, %add3A_461 : i32
    %mul3A_463 = arith.constant 128 : i32
    %mul3A_464 = arith.muli %add3A_462, %mul3A_463 : i32
    %dma_start3A_465 = arith.constant 0 : i32
    %dma_start3A_466 = arith.constant 0 : i32
    %dma_start3A_467 = arith.constant 0 : i32
    %dma_start3A_468 = tpu.memref_slice %arg6[%dma_start3A_465, %dma_start3A_466, %dma_start3A_467] : memref<2x128x128xf32, #tpu.memory_space<vmem>> -> memref<1x128x128xf32, #tpu.memory_space<vmem>>
    %dma_start3A_469 = tpu.memref_squeeze %dma_start3A_468 : memref<1x128x128xf32, #tpu.memory_space<vmem>> -> memref<128x128xf32, #tpu.memory_space<vmem>>
    %dma_start3A_470 = arith.constant 0 : i32
    %dma_start3A_471 = tpu.memref_slice %arg3[%mul3A_464, %dma_start3A_470] : memref<320000x128xf32, #tpu.memory_space<hbm>> -> memref<128x128xf32, #tpu.memory_space<hbm>>
    %dma_start3A_472 = arith.constant 0 : i32
    %dma_start3A_473 = arith.constant 0 : i32
    %dma_start3A_474 = tpu.memref_slice %arg6[%dma_start3A_465, %dma_start3A_472, %dma_start3A_473] : memref<2x128x128xf32, #tpu.memory_space<vmem>> -> memref<1x128x128xf32, #tpu.memory_space<vmem>>
    %dma_start3A_475 = tpu.memref_squeeze %dma_start3A_474 : memref<1x128x128xf32, #tpu.memory_space<vmem>> -> memref<128x128xf32, #tpu.memory_space<vmem>>
    %dma_start3A_476 = arith.constant 0 : i32
    %dma_start3A_477 = tpu.memref_slice %arg3[%mul3A_464, %dma_start3A_476] : memref<320000x128xf32, #tpu.memory_space<hbm>> -> memref<128x128xf32, #tpu.memory_space<hbm>>
    tpu.enqueue_dma source(%dma_start3A_477 : memref<128x128xf32, #tpu.memory_space<hbm>>) target(%dma_start3A_475 : memref<128x128xf32, #tpu.memory_space<vmem>>) target_semaphore(%arg11 : memref<!tpu.dma_semaphore, #tpu.memory_space<semaphore_mem>>)
    %add3A_478 = arith.constant 1 : i32
    %add3A_479 = arith.addi %select_n3A, %add3A_478 : i32
    %mul3A_480 = arith.constant 128 : i32
    %mul3A_481 = arith.muli %add3A_479, %mul3A_480 : i32
    %dma_start3A_482 = arith.constant 1 : i32
    %dma_start3A_483 = arith.constant 0 : i32
    %dma_start3A_484 = arith.constant 0 : i32
    %dma_start3A_485 = tpu.memref_slice %arg6[%dma_start3A_482, %dma_start3A_483, %dma_start3A_484] : memref<2x128x128xf32, #tpu.memory_space<vmem>> -> memref<1x128x128xf32, #tpu.memory_space<vmem>>
    %dma_start3A_486 = tpu.memref_squeeze %dma_start3A_485 : memref<1x128x128xf32, #tpu.memory_space<vmem>> -> memref<128x128xf32, #tpu.memory_space<vmem>>
    %dma_start3A_487 = arith.constant 0 : i32
    %dma_start3A_488 = tpu.memref_slice %arg3[%mul3A_481, %dma_start3A_487] : memref<320000x128xf32, #tpu.memory_space<hbm>> -> memref<128x128xf32, #tpu.memory_space<hbm>>
    %dma_start3A_489 = arith.constant 0 : i32
    %dma_start3A_490 = arith.constant 0 : i32
    %dma_start3A_491 = tpu.memref_slice %arg6[%dma_start3A_482, %dma_start3A_489, %dma_start3A_490] : memref<2x128x128xf32, #tpu.memory_space<vmem>> -> memref<1x128x128xf32, #tpu.memory_space<vmem>>
    %dma_start3A_492 = tpu.memref_squeeze %dma_start3A_491 : memref<1x128x128xf32, #tpu.memory_space<vmem>> -> memref<128x128xf32, #tpu.memory_space<vmem>>
    %dma_start3A_493 = arith.constant 0 : i32
    %dma_start3A_494 = tpu.memref_slice %arg3[%mul3A_481, %dma_start3A_493] : memref<320000x128xf32, #tpu.memory_space<hbm>> -> memref<128x128xf32, #tpu.memory_space<hbm>>
    tpu.enqueue_dma source(%dma_start3A_494 : memref<128x128xf32, #tpu.memory_space<hbm>>) target(%dma_start3A_492 : memref<128x128xf32, #tpu.memory_space<vmem>>) target_semaphore(%arg12 : memref<!tpu.dma_semaphore, #tpu.memory_space<semaphore_mem>>)
    %scan3A_495 = arith.constant 0 : i32
    %scan3A_496 = arith.constant 0 : i32
    %scan3A_497 = arith.constant 39 : i32
    %scan3A_498 = arith.addi %scan3A_496, %scan3A_497 : i32
    %scan3A_499 = arith.constant 1 : i32
    %scan3A_500 = scf.for %scan3A_509 = %scan3A_496 to %scan3A_498 step %scan3A_499 iter_args(%scan3A_510 = %scan3A_495) -> (i32)  : i32 {
      %mul3A_511 = arith.constant 2 : i32
      %mul3A_512 = arith.muli %mul3A_511, %scan3A_509 : i32
      %add3A_513 = arith.constant 0 : i32
      %add3A_514 = arith.addi %mul3A_512, %add3A_513 : i32
      %add3A_515 = arith.addi %select_n3A, %add3A_514 : i32
      %mul3A_516 = arith.constant 128 : i32
      %mul3A_517 = arith.muli %add3A_515, %mul3A_516 : i32
      %dma_wait3A_518 = arith.constant 0 : i32
      %dma_wait3A_519 = arith.constant 0 : i32
      %dma_wait3A_520 = arith.constant 0 : i32
      %dma_wait3A_521 = tpu.memref_slice %arg6[%dma_wait3A_518, %dma_wait3A_519, %dma_wait3A_520] : memref<2x128x128xf32, #tpu.memory_space<vmem>> -> memref<1x128x128xf32, #tpu.memory_space<vmem>>
      %dma_wait3A_522 = tpu.memref_squeeze %dma_wait3A_521 : memref<1x128x128xf32, #tpu.memory_space<vmem>> -> memref<128x128xf32, #tpu.memory_space<vmem>>
      %dma_wait3A_523 = arith.constant 0 : i32
      %dma_wait3A_524 = tpu.memref_slice %arg3[%mul3A_517, %dma_wait3A_523] : memref<320000x128xf32, #tpu.memory_space<hbm>> -> memref<128x128xf32, #tpu.memory_space<hbm>>
      %dma_wait3A_525 = arith.constant 0 : i32
      %dma_wait3A_526 = arith.constant 0 : i32
      %dma_wait3A_527 = tpu.memref_slice %arg6[%dma_wait3A_518, %dma_wait3A_525, %dma_wait3A_526] : memref<2x128x128xf32, #tpu.memory_space<vmem>> -> memref<1x128x128xf32, #tpu.memory_space<vmem>>
      %dma_wait3A_528 = tpu.memref_squeeze %dma_wait3A_527 : memref<1x128x128xf32, #tpu.memory_space<vmem>> -> memref<128x128xf32, #tpu.memory_space<vmem>>
      %dma_wait3A_529 = arith.constant 0 : i32
      %dma_wait3A_530 = tpu.memref_slice %arg3[%mul3A_517, %dma_wait3A_529] : memref<320000x128xf32, #tpu.memory_space<hbm>> -> memref<128x128xf32, #tpu.memory_space<hbm>>
      tpu.wait_dma2 semaphore(%arg11 : memref<!tpu.dma_semaphore, #tpu.memory_space<semaphore_mem>>) src(%dma_wait3A_530 : memref<128x128xf32, #tpu.memory_space<hbm>>) dst(%dma_wait3A_528 : memref<128x128xf32, #tpu.memory_space<vmem>>)
      %run_scoped3A = arith.constant 0 : i32
      "tpu.region"() ({
        %run_scoped3A_564 = tpu.sem_alloc : memref<!tpu.dma_semaphore, #tpu.memory_space<semaphore_mem>>
        %dma_start3A_565 = arith.constant 0 : i32
        %dma_start3A_566 = arith.constant 0 : i32
        %dma_start3A_567 = tpu.memref_slice %arg6[%run_scoped3A, %dma_start3A_565, %dma_start3A_566] : memref<2x128x128xf32, #tpu.memory_space<vmem>> -> memref<1x128x128xf32, #tpu.memory_space<vmem>>
        %dma_start3A_568 = tpu.memref_squeeze %dma_start3A_567 : memref<1x128x128xf32, #tpu.memory_space<vmem>> -> memref<128x128xf32, #tpu.memory_space<vmem>>
        %dma_start3A_569 = arith.constant 0 : i32
        %dma_start3A_570 = tpu.memref_slice %arg5[%add3A_514, %dma_start3A_569] : memref<79x128xi32, #tpu.memory_space<vmem>> -> memref<1x128xi32, #tpu.memory_space<vmem>>
        %dma_start3A_571 = tpu.memref_squeeze %dma_start3A_570 : memref<1x128xi32, #tpu.memory_space<vmem>> -> memref<128xi32, #tpu.memory_space<vmem>>
        %dma_start3A_572 = arith.constant 0 : i32
        %dma_start3A_573 = arith.constant 0 : i32
        %dma_start3A_574 = tpu.memref_slice %arg8[%dma_start3A_572, %dma_start3A_573] : memref<10000x128xf32, #tpu.memory_space<vmem_shared>> -> memref<10000x128xf32, #tpu.memory_space<vmem_shared>>
        tpu.enqueue_indirect_dma source(%dma_start3A_568 : memref<128x128xf32, #tpu.memory_space<vmem>>) target(%dma_start3A_574 : memref<10000x128xf32, #tpu.memory_space<vmem_shared>>) offsets(%dma_start3A_571 : memref<128xi32, #tpu.memory_space<vmem>>) semaphore(%run_scoped3A_564 : memref<!tpu.dma_semaphore, #tpu.memory_space<semaphore_mem>>) {add = true}
        %dma_wait3A_575 = arith.constant 0 : i32
        %dma_wait3A_576 = arith.constant 0 : i32
        %dma_wait3A_577 = tpu.memref_slice %arg6[%run_scoped3A, %dma_wait3A_575, %dma_wait3A_576] : memref<2x128x128xf32, #tpu.memory_space<vmem>> -> memref<1x128x128xf32, #tpu.memory_space<vmem>>
        %dma_wait3A_578 = tpu.memref_squeeze %dma_wait3A_577 : memref<1x128x128xf32, #tpu.memory_space<vmem>> -> memref<128x128xf32, #tpu.memory_space<vmem>>
        %dma_wait3A_579 = arith.constant 0 : i32
        %dma_wait3A_580 = tpu.memref_slice %arg5[%add3A_514, %dma_wait3A_579] : memref<79x128xi32, #tpu.memory_space<vmem>> -> memref<1x128xi32, #tpu.memory_space<vmem>>
        %dma_wait3A_581 = tpu.memref_squeeze %dma_wait3A_580 : memref<1x128xi32, #tpu.memory_space<vmem>> -> memref<128xi32, #tpu.memory_space<vmem>>
        %dma_wait3A_582 = arith.constant 0 : i32
        %dma_wait3A_583 = arith.constant 0 : i32
        %dma_wait3A_584 = tpu.memref_slice %arg8[%dma_wait3A_582, %dma_wait3A_583] : memref<10000x128xf32, #tpu.memory_space<vmem_shared>> -> memref<10000x128xf32, #tpu.memory_space<vmem_shared>>
        tpu.wait_indirect_dma semaphore(%run_scoped3A_564 : memref<!tpu.dma_semaphore, #tpu.memory_space<semaphore_mem>>) src(%dma_wait3A_578 : memref<128x128xf32, #tpu.memory_space<vmem>>) dst(%dma_wait3A_584 : memref<10000x128xf32, #tpu.memory_space<vmem_shared>>)
        tpu.yield
      }) : () -> ()
      %add3A_531 = arith.constant 2 : i32
      %add3A_532 = arith.addi %add3A_514, %add3A_531 : i32
      %lt3A = arith.cmpi slt, %add3A_532, %sub3A_47 : i32
      %convert_element_type3A_533 = arith.extui %lt3A : i1 to i32
      %cond3A_534 = arith.constant 0 : i32
      %cond3A_535 = arith.cmpi ne, %convert_element_type3A_533, %cond3A_534 : i32
      scf.if %cond3A_535 {
        %add3A_564 = arith.addi %select_n3A, %add3A_514 : i32
        %add3A_565 = arith.constant 2 : i32
        %add3A_566 = arith.addi %add3A_564, %add3A_565 : i32
        %mul3A_567 = arith.constant 128 : i32
        %mul3A_568 = arith.muli %add3A_566, %mul3A_567 : i32
        %dma_start3A_569 = arith.constant 0 : i32
        %dma_start3A_570 = arith.constant 0 : i32
        %dma_start3A_571 = arith.constant 0 : i32
        %dma_start3A_572 = tpu.memref_slice %arg6[%dma_start3A_569, %dma_start3A_570, %dma_start3A_571] : memref<2x128x128xf32, #tpu.memory_space<vmem>> -> memref<1x128x128xf32, #tpu.memory_space<vmem>>
        %dma_start3A_573 = tpu.memref_squeeze %dma_start3A_572 : memref<1x128x128xf32, #tpu.memory_space<vmem>> -> memref<128x128xf32, #tpu.memory_space<vmem>>
        %dma_start3A_574 = arith.constant 0 : i32
        %dma_start3A_575 = tpu.memref_slice %arg3[%mul3A_568, %dma_start3A_574] : memref<320000x128xf32, #tpu.memory_space<hbm>> -> memref<128x128xf32, #tpu.memory_space<hbm>>
        %dma_start3A_576 = arith.constant 0 : i32
        %dma_start3A_577 = arith.constant 0 : i32
        %dma_start3A_578 = tpu.memref_slice %arg6[%dma_start3A_569, %dma_start3A_576, %dma_start3A_577] : memref<2x128x128xf32, #tpu.memory_space<vmem>> -> memref<1x128x128xf32, #tpu.memory_space<vmem>>
        %dma_start3A_579 = tpu.memref_squeeze %dma_start3A_578 : memref<1x128x128xf32, #tpu.memory_space<vmem>> -> memref<128x128xf32, #tpu.memory_space<vmem>>
        %dma_start3A_580 = arith.constant 0 : i32
        %dma_start3A_581 = tpu.memref_slice %arg3[%mul3A_568, %dma_start3A_580] : memref<320000x128xf32, #tpu.memory_space<hbm>> -> memref<128x128xf32, #tpu.memory_space<hbm>>
        tpu.enqueue_dma source(%dma_start3A_581 : memref<128x128xf32, #tpu.memory_space<hbm>>) target(%dma_start3A_579 : memref<128x128xf32, #tpu.memory_space<vmem>>) target_semaphore(%arg11 : memref<!tpu.dma_semaphore, #tpu.memory_space<semaphore_mem>>)
      } else {
      }
      %mul3A_536 = arith.constant 2 : i32
      %mul3A_537 = arith.muli %mul3A_536, %scan3A_509 : i32
      %add3A_538 = arith.constant 1 : i32
      %add3A_539 = arith.addi %mul3A_537, %add3A_538 : i32
      %add3A_540 = arith.addi %select_n3A, %add3A_539 : i32
      %mul3A_541 = arith.constant 128 : i32
      %mul3A_542 = arith.muli %add3A_540, %mul3A_541 : i32
      %dma_wait3A_543 = arith.constant 1 : i32
      %dma_wait3A_544 = arith.constant 0 : i32
      %dma_wait3A_545 = arith.constant 0 : i32
      %dma_wait3A_546 = tpu.memref_slice %arg6[%dma_wait3A_543, %dma_wait3A_544, %dma_wait3A_545] : memref<2x128x128xf32, #tpu.memory_space<vmem>> -> memref<1x128x128xf32, #tpu.memory_space<vmem>>
      %dma_wait3A_547 = tpu.memref_squeeze %dma_wait3A_546 : memref<1x128x128xf32, #tpu.memory_space<vmem>> -> memref<128x128xf32, #tpu.memory_space<vmem>>
      %dma_wait3A_548 = arith.constant 0 : i32
      %dma_wait3A_549 = tpu.memref_slice %arg3[%mul3A_542, %dma_wait3A_548] : memref<320000x128xf32, #tpu.memory_space<hbm>> -> memref<128x128xf32, #tpu.memory_space<hbm>>
      %dma_wait3A_550 = arith.constant 0 : i32
      %dma_wait3A_551 = arith.constant 0 : i32
      %dma_wait3A_552 = tpu.memref_slice %arg6[%dma_wait3A_543, %dma_wait3A_550, %dma_wait3A_551] : memref<2x128x128xf32, #tpu.memory_space<vmem>> -> memref<1x128x128xf32, #tpu.memory_space<vmem>>
      %dma_wait3A_553 = tpu.memref_squeeze %dma_wait3A_552 : memref<1x128x128xf32, #tpu.memory_space<vmem>> -> memref<128x128xf32, #tpu.memory_space<vmem>>
      %dma_wait3A_554 = arith.constant 0 : i32
      %dma_wait3A_555 = tpu.memref_slice %arg3[%mul3A_542, %dma_wait3A_554] : memref<320000x128xf32, #tpu.memory_space<hbm>> -> memref<128x128xf32, #tpu.memory_space<hbm>>
      tpu.wait_dma2 semaphore(%arg12 : memref<!tpu.dma_semaphore, #tpu.memory_space<semaphore_mem>>) src(%dma_wait3A_555 : memref<128x128xf32, #tpu.memory_space<hbm>>) dst(%dma_wait3A_553 : memref<128x128xf32, #tpu.memory_space<vmem>>)
      %run_scoped3A_556 = arith.constant 1 : i32
      "tpu.region"() ({
        %run_scoped3A_564 = tpu.sem_alloc : memref<!tpu.dma_semaphore, #tpu.memory_space<semaphore_mem>>
        %dma_start3A_565 = arith.constant 0 : i32
        %dma_start3A_566 = arith.constant 0 : i32
        %dma_start3A_567 = tpu.memref_slice %arg6[%run_scoped3A_556, %dma_start3A_565, %dma_start3A_566] : memref<2x128x128xf32, #tpu.memory_space<vmem>> -> memref<1x128x128xf32, #tpu.memory_space<vmem>>
        %dma_start3A_568 = tpu.memref_squeeze %dma_start3A_567 : memref<1x128x128xf32, #tpu.memory_space<vmem>> -> memref<128x128xf32, #tpu.memory_space<vmem>>
        %dma_start3A_569 = arith.constant 0 : i32
        %dma_start3A_570 = tpu.memref_slice %arg5[%add3A_539, %dma_start3A_569] : memref<79x128xi32, #tpu.memory_space<vmem>> -> memref<1x128xi32, #tpu.memory_space<vmem>>
        %dma_start3A_571 = tpu.memref_squeeze %dma_start3A_570 : memref<1x128xi32, #tpu.memory_space<vmem>> -> memref<128xi32, #tpu.memory_space<vmem>>
        %dma_start3A_572 = arith.constant 0 : i32
        %dma_start3A_573 = arith.constant 0 : i32
        %dma_start3A_574 = tpu.memref_slice %arg8[%dma_start3A_572, %dma_start3A_573] : memref<10000x128xf32, #tpu.memory_space<vmem_shared>> -> memref<10000x128xf32, #tpu.memory_space<vmem_shared>>
        tpu.enqueue_indirect_dma source(%dma_start3A_568 : memref<128x128xf32, #tpu.memory_space<vmem>>) target(%dma_start3A_574 : memref<10000x128xf32, #tpu.memory_space<vmem_shared>>) offsets(%dma_start3A_571 : memref<128xi32, #tpu.memory_space<vmem>>) semaphore(%run_scoped3A_564 : memref<!tpu.dma_semaphore, #tpu.memory_space<semaphore_mem>>) {add = true}
        %dma_wait3A_575 = arith.constant 0 : i32
        %dma_wait3A_576 = arith.constant 0 : i32
        %dma_wait3A_577 = tpu.memref_slice %arg6[%run_scoped3A_556, %dma_wait3A_575, %dma_wait3A_576] : memref<2x128x128xf32, #tpu.memory_space<vmem>> -> memref<1x128x128xf32, #tpu.memory_space<vmem>>
        %dma_wait3A_578 = tpu.memref_squeeze %dma_wait3A_577 : memref<1x128x128xf32, #tpu.memory_space<vmem>> -> memref<128x128xf32, #tpu.memory_space<vmem>>
        %dma_wait3A_579 = arith.constant 0 : i32
        %dma_wait3A_580 = tpu.memref_slice %arg5[%add3A_539, %dma_wait3A_579] : memref<79x128xi32, #tpu.memory_space<vmem>> -> memref<1x128xi32, #tpu.memory_space<vmem>>
        %dma_wait3A_581 = tpu.memref_squeeze %dma_wait3A_580 : memref<1x128xi32, #tpu.memory_space<vmem>> -> memref<128xi32, #tpu.memory_space<vmem>>
        %dma_wait3A_582 = arith.constant 0 : i32
        %dma_wait3A_583 = arith.constant 0 : i32
        %dma_wait3A_584 = tpu.memref_slice %arg8[%dma_wait3A_582, %dma_wait3A_583] : memref<10000x128xf32, #tpu.memory_space<vmem_shared>> -> memref<10000x128xf32, #tpu.memory_space<vmem_shared>>
        tpu.wait_indirect_dma semaphore(%run_scoped3A_564 : memref<!tpu.dma_semaphore, #tpu.memory_space<semaphore_mem>>) src(%dma_wait3A_578 : memref<128x128xf32, #tpu.memory_space<vmem>>) dst(%dma_wait3A_584 : memref<10000x128xf32, #tpu.memory_space<vmem_shared>>)
        tpu.yield
      }) : () -> ()
      %add3A_557 = arith.constant 2 : i32
      %add3A_558 = arith.addi %add3A_539, %add3A_557 : i32
      %lt3A_559 = arith.cmpi slt, %add3A_558, %sub3A_47 : i32
      %convert_element_type3A_560 = arith.extui %lt3A_559 : i1 to i32
      %cond3A_561 = arith.constant 0 : i32
      %cond3A_562 = arith.cmpi ne, %convert_element_type3A_560, %cond3A_561 : i32
      scf.if %cond3A_562 {
        %add3A_564 = arith.addi %select_n3A, %add3A_539 : i32
        %add3A_565 = arith.constant 2 : i32
        %add3A_566 = arith.addi %add3A_564, %add3A_565 : i32
        %mul3A_567 = arith.constant 128 : i32
        %mul3A_568 = arith.muli %add3A_566, %mul3A_567 : i32
        %dma_start3A_569 = arith.constant 1 : i32
        %dma_start3A_570 = arith.constant 0 : i32
        %dma_start3A_571 = arith.constant 0 : i32
        %dma_start3A_572 = tpu.memref_slice %arg6[%dma_start3A_569, %dma_start3A_570, %dma_start3A_571] : memref<2x128x128xf32, #tpu.memory_space<vmem>> -> memref<1x128x128xf32, #tpu.memory_space<vmem>>
        %dma_start3A_573 = tpu.memref_squeeze %dma_start3A_572 : memref<1x128x128xf32, #tpu.memory_space<vmem>> -> memref<128x128xf32, #tpu.memory_space<vmem>>
        %dma_start3A_574 = arith.constant 0 : i32
        %dma_start3A_575 = tpu.memref_slice %arg3[%mul3A_568, %dma_start3A_574] : memref<320000x128xf32, #tpu.memory_space<hbm>> -> memref<128x128xf32, #tpu.memory_space<hbm>>
        %dma_start3A_576 = arith.constant 0 : i32
        %dma_start3A_577 = arith.constant 0 : i32
        %dma_start3A_578 = tpu.memref_slice %arg6[%dma_start3A_569, %dma_start3A_576, %dma_start3A_577] : memref<2x128x128xf32, #tpu.memory_space<vmem>> -> memref<1x128x128xf32, #tpu.memory_space<vmem>>
        %dma_start3A_579 = tpu.memref_squeeze %dma_start3A_578 : memref<1x128x128xf32, #tpu.memory_space<vmem>> -> memref<128x128xf32, #tpu.memory_space<vmem>>
        %dma_start3A_580 = arith.constant 0 : i32
        %dma_start3A_581 = tpu.memref_slice %arg3[%mul3A_568, %dma_start3A_580] : memref<320000x128xf32, #tpu.memory_space<hbm>> -> memref<128x128xf32, #tpu.memory_space<hbm>>
        tpu.enqueue_dma source(%dma_start3A_581 : memref<128x128xf32, #tpu.memory_space<hbm>>) target(%dma_start3A_579 : memref<128x128xf32, #tpu.memory_space<vmem>>) target_semaphore(%arg12 : memref<!tpu.dma_semaphore, #tpu.memory_space<semaphore_mem>>)
      } else {
      }
      %scan3A_563 = arith.constant 0 : i32
      scf.yield %scan3A_563 : i32
    }
    %scan3A_501 = arith.constant 39 : i32
    %gt3A = arith.constant 78 : i32
    %gt3A_502 = arith.cmpi sgt, %sub3A_47, %gt3A : i32
    %convert_element_type3A = arith.extui %gt3A_502 : i1 to i32
    %cond3A = arith.constant 0 : i32
    %cond3A_503 = arith.cmpi ne, %convert_element_type3A, %cond3A : i32
    scf.if %cond3A_503 {
      %add3A_509 = arith.constant 78 : i32
      %add3A_510 = arith.addi %select_n3A, %add3A_509 : i32
      %mul3A_511 = arith.constant 128 : i32
      %mul3A_512 = arith.muli %add3A_510, %mul3A_511 : i32
      %dma_wait3A_513 = arith.constant 0 : i32
      %dma_wait3A_514 = arith.constant 0 : i32
      %dma_wait3A_515 = arith.constant 0 : i32
      %dma_wait3A_516 = tpu.memref_slice %arg6[%dma_wait3A_513, %dma_wait3A_514, %dma_wait3A_515] : memref<2x128x128xf32, #tpu.memory_space<vmem>> -> memref<1x128x128xf32, #tpu.memory_space<vmem>>
      %dma_wait3A_517 = tpu.memref_squeeze %dma_wait3A_516 : memref<1x128x128xf32, #tpu.memory_space<vmem>> -> memref<128x128xf32, #tpu.memory_space<vmem>>
      %dma_wait3A_518 = arith.constant 0 : i32
      %dma_wait3A_519 = tpu.memref_slice %arg3[%mul3A_512, %dma_wait3A_518] : memref<320000x128xf32, #tpu.memory_space<hbm>> -> memref<128x128xf32, #tpu.memory_space<hbm>>
      %dma_wait3A_520 = arith.constant 0 : i32
      %dma_wait3A_521 = arith.constant 0 : i32
      %dma_wait3A_522 = tpu.memref_slice %arg6[%dma_wait3A_513, %dma_wait3A_520, %dma_wait3A_521] : memref<2x128x128xf32, #tpu.memory_space<vmem>> -> memref<1x128x128xf32, #tpu.memory_space<vmem>>
      %dma_wait3A_523 = tpu.memref_squeeze %dma_wait3A_522 : memref<1x128x128xf32, #tpu.memory_space<vmem>> -> memref<128x128xf32, #tpu.memory_space<vmem>>
      %dma_wait3A_524 = arith.constant 0 : i32
      %dma_wait3A_525 = tpu.memref_slice %arg3[%mul3A_512, %dma_wait3A_524] : memref<320000x128xf32, #tpu.memory_space<hbm>> -> memref<128x128xf32, #tpu.memory_space<hbm>>
      tpu.wait_dma2 semaphore(%arg11 : memref<!tpu.dma_semaphore, #tpu.memory_space<semaphore_mem>>) src(%dma_wait3A_525 : memref<128x128xf32, #tpu.memory_space<hbm>>) dst(%dma_wait3A_523 : memref<128x128xf32, #tpu.memory_space<vmem>>)
      %run_scoped3A = arith.constant 0 : i32
      %run_scoped3A_526 = arith.constant 78 : i32
      "tpu.region"() ({
        %run_scoped3A_527 = tpu.sem_alloc : memref<!tpu.dma_semaphore, #tpu.memory_space<semaphore_mem>>
        %dma_start3A_528 = arith.constant 0 : i32
        %dma_start3A_529 = arith.constant 0 : i32
        %dma_start3A_530 = tpu.memref_slice %arg6[%run_scoped3A, %dma_start3A_528, %dma_start3A_529] : memref<2x128x128xf32, #tpu.memory_space<vmem>> -> memref<1x128x128xf32, #tpu.memory_space<vmem>>
        %dma_start3A_531 = tpu.memref_squeeze %dma_start3A_530 : memref<1x128x128xf32, #tpu.memory_space<vmem>> -> memref<128x128xf32, #tpu.memory_space<vmem>>
        %dma_start3A_532 = arith.constant 0 : i32
        %dma_start3A_533 = tpu.memref_slice %arg5[%run_scoped3A_526, %dma_start3A_532] : memref<79x128xi32, #tpu.memory_space<vmem>> -> memref<1x128xi32, #tpu.memory_space<vmem>>
        %dma_start3A_534 = tpu.memref_squeeze %dma_start3A_533 : memref<1x128xi32, #tpu.memory_space<vmem>> -> memref<128xi32, #tpu.memory_space<vmem>>
        %dma_start3A_535 = arith.constant 0 : i32
        %dma_start3A_536 = arith.constant 0 : i32
        %dma_start3A_537 = tpu.memref_slice %arg8[%dma_start3A_535, %dma_start3A_536] : memref<10000x128xf32, #tpu.memory_space<vmem_shared>> -> memref<10000x128xf32, #tpu.memory_space<vmem_shared>>
        tpu.enqueue_indirect_dma source(%dma_start3A_531 : memref<128x128xf32, #tpu.memory_space<vmem>>) target(%dma_start3A_537 : memref<10000x128xf32, #tpu.memory_space<vmem_shared>>) offsets(%dma_start3A_534 : memref<128xi32, #tpu.memory_space<vmem>>) semaphore(%run_scoped3A_527 : memref<!tpu.dma_semaphore, #tpu.memory_space<semaphore_mem>>) {add = true}
        %dma_wait3A_538 = arith.constant 0 : i32
        %dma_wait3A_539 = arith.constant 0 : i32
        %dma_wait3A_540 = tpu.memref_slice %arg6[%run_scoped3A, %dma_wait3A_538, %dma_wait3A_539] : memref<2x128x128xf32, #tpu.memory_space<vmem>> -> memref<1x128x128xf32, #tpu.memory_space<vmem>>
        %dma_wait3A_541 = tpu.memref_squeeze %dma_wait3A_540 : memref<1x128x128xf32, #tpu.memory_space<vmem>> -> memref<128x128xf32, #tpu.memory_space<vmem>>
        %dma_wait3A_542 = arith.constant 0 : i32
        %dma_wait3A_543 = tpu.memref_slice %arg5[%run_scoped3A_526, %dma_wait3A_542] : memref<79x128xi32, #tpu.memory_space<vmem>> -> memref<1x128xi32, #tpu.memory_space<vmem>>
        %dma_wait3A_544 = tpu.memref_squeeze %dma_wait3A_543 : memref<1x128xi32, #tpu.memory_space<vmem>> -> memref<128xi32, #tpu.memory_space<vmem>>
        %dma_wait3A_545 = arith.constant 0 : i32
        %dma_wait3A_546 = arith.constant 0 : i32
        %dma_wait3A_547 = tpu.memref_slice %arg8[%dma_wait3A_545, %dma_wait3A_546] : memref<10000x128xf32, #tpu.memory_space<vmem_shared>> -> memref<10000x128xf32, #tpu.memory_space<vmem_shared>>
        tpu.wait_indirect_dma semaphore(%run_scoped3A_527 : memref<!tpu.dma_semaphore, #tpu.memory_space<semaphore_mem>>) src(%dma_wait3A_541 : memref<128x128xf32, #tpu.memory_space<vmem>>) dst(%dma_wait3A_547 : memref<10000x128xf32, #tpu.memory_space<vmem_shared>>)
        tpu.yield
      }) : () -> ()
    } else {
    }
    %barrier3A_504 = arith.constant 0 : index
    tpu.barrier barrier_id(%barrier3A_504)
    %mul3A_505 = arith.constant 625 : i32
    %mul3A_506 = arith.muli %arg1, %mul3A_505 : i32
    %mul3A_507 = arith.constant 625 : i32
    %mul3A_508 = arith.muli %arg1, %mul3A_507 : i32
    "tpu.region"() ({
      %run_scoped3A = tpu.sem_alloc : memref<!tpu.dma_semaphore, #tpu.memory_space<semaphore_mem>>
      %dma_start3A_509 = arith.constant 0 : i32
      %dma_start3A_510 = arith.constant 0 : i32
      %dma_start3A_511 = tpu.memref_slice %arg4[%arg0, %dma_start3A_509, %dma_start3A_510] : memref<2x10000x128xf32, #tpu.memory_space<hbm>> -> memref<1x10000x128xf32, #tpu.memory_space<hbm>>
      %dma_start3A_512 = tpu.memref_squeeze %dma_start3A_511 : memref<1x10000x128xf32, #tpu.memory_space<hbm>> -> memref<10000x128xf32, #tpu.memory_space<hbm>>
      %dma_start3A_513 = arith.constant 0 : i32
      %dma_start3A_514 = tpu.memref_slice %dma_start3A_512[%mul3A_508, %dma_start3A_513] : memref<10000x128xf32, #tpu.memory_space<hbm>> -> memref<625x128xf32, #tpu.memory_space<hbm>>
      %dma_start3A_515 = arith.constant 0 : i32
      %dma_start3A_516 = tpu.memref_slice %arg8[%mul3A_506, %dma_start3A_515] : memref<10000x128xf32, #tpu.memory_space<vmem_shared>> -> memref<625x128xf32, #tpu.memory_space<vmem_shared>>
      tpu.enqueue_dma source(%dma_start3A_516 : memref<625x128xf32, #tpu.memory_space<vmem_shared>>) target(%dma_start3A_514 : memref<625x128xf32, #tpu.memory_space<hbm>>) target_semaphore(%run_scoped3A : memref<!tpu.dma_semaphore, #tpu.memory_space<semaphore_mem>>)
      %dma_wait3A_517 = arith.constant 0 : i32
      %dma_wait3A_518 = arith.constant 0 : i32
      %dma_wait3A_519 = tpu.memref_slice %arg4[%arg0, %dma_wait3A_517, %dma_wait3A_518] : memref<2x10000x128xf32, #tpu.memory_space<hbm>> -> memref<1x10000x128xf32, #tpu.memory_space<hbm>>
      %dma_wait3A_520 = tpu.memref_squeeze %dma_wait3A_519 : memref<1x10000x128xf32, #tpu.memory_space<hbm>> -> memref<10000x128xf32, #tpu.memory_space<hbm>>
      %dma_wait3A_521 = arith.constant 0 : i32
      %dma_wait3A_522 = tpu.memref_slice %dma_wait3A_520[%mul3A_508, %dma_wait3A_521] : memref<10000x128xf32, #tpu.memory_space<hbm>> -> memref<625x128xf32, #tpu.memory_space<hbm>>
      %dma_wait3A_523 = arith.constant 0 : i32
      %dma_wait3A_524 = tpu.memref_slice %arg8[%mul3A_506, %dma_wait3A_523] : memref<10000x128xf32, #tpu.memory_space<vmem_shared>> -> memref<625x128xf32, #tpu.memory_space<vmem_shared>>
      tpu.wait_dma2 semaphore(%run_scoped3A : memref<!tpu.dma_semaphore, #tpu.memory_space<semaphore_mem>>) src(%dma_wait3A_524 : memref<625x128xf32, #tpu.memory_space<vmem_shared>>) dst(%dma_wait3A_522 : memref<625x128xf32, #tpu.memory_space<hbm>>)
      tpu.yield
    }) : () -> ()
    return
  }
}

module attributes {stable_mosaic.version = 14 : i64} {
  func.func @_mlp_b_body(%arg0: i32, %arg1: memref<2000x128xf32, #tpu.memory_space<vmem>>, %arg2: memref<1x2000x128xf32, #tpu.memory_space<vmem>>, %arg3: memref<1x2000x128xf32, #tpu.memory_space<vmem>>, %arg4: memref<128x128xf32, #tpu.memory_space<vmem>>, %arg5: memref<128x128xf32, #tpu.memory_space<vmem>>, %arg6: memref<1x128xf32, #tpu.memory_space<vmem>>, %arg7: memref<2000x128xf32, #tpu.memory_space<vmem>>) attributes {dimension_semantics = [#tpu.dimension_semantics<arbitrary>], iteration_bounds = array<i64: 5>, scalar_prefetch = 0 : i64, scratch_operands = 0 : i64, tpu.core_type = #tpu.core_type<tc>, window_params = [{transform_indices = @transform_0, window_bounds = array<i64: 2000, 128>}, {transform_indices = @transform_1, window_bounds = array<i64: 1, 2000, 128>}, {transform_indices = @transform_2, window_bounds = array<i64: 1, 2000, 128>}, {pipeline_mode = #tpu.pipeline_mode<synchronous>, transform_indices = @transform_3, window_bounds = array<i64: 128, 128>}, {pipeline_mode = #tpu.pipeline_mode<synchronous>, transform_indices = @transform_4, window_bounds = array<i64: 128, 128>}, {pipeline_mode = #tpu.pipeline_mode<synchronous>, transform_indices = @transform_5, window_bounds = array<i64: 1, 128>}, {transform_indices = @transform_6, window_bounds = array<i64: 2000, 128>}]} {
    %get3A = arith.constant 0 : index
    %get3A_0 = arith.constant 0 : index
    %get3A_1 = arith.constant 0 : index
    %get3A_2 = vector.load %arg2[%get3A, %get3A_0, %get3A_1] : memref<1x2000x128xf32, #tpu.memory_space<vmem>>, vector<1x2000x128xf32>
    %get3A_3 = vector.shape_cast %get3A_2 : vector<1x2000x128xf32> to vector<2000x128xf32>
    %get3A_4 = arith.constant 0 : index
    %get3A_5 = arith.constant 0 : index
    %get3A_6 = arith.constant 0 : index
    %get3A_7 = vector.load %arg3[%get3A_4, %get3A_5, %get3A_6] : memref<1x2000x128xf32, #tpu.memory_space<vmem>>, vector<1x2000x128xf32>
    %get3A_8 = vector.shape_cast %get3A_7 : vector<1x2000x128xf32> to vector<2000x128xf32>
    %add3A = arith.addf %get3A_3, %get3A_8 : vector<2000x128xf32>
    %get3A_9 = arith.constant 0 : index
    %get3A_10 = arith.constant 0 : index
    %get3A_11 = vector.load %arg1[%get3A_9, %get3A_10] : memref<2000x128xf32, #tpu.memory_space<vmem>>, vector<2000x128xf32>
    %get3A_12 = arith.constant 0 : index
    %get3A_13 = arith.constant 0 : index
    %get3A_14 = vector.load %arg4[%get3A_12, %get3A_13] : memref<128x128xf32, #tpu.memory_space<vmem>>, vector<128x128xf32>
    %dot_general3A = arith.constant dense<0.000000e+00> : vector<2000x128xf32>
    %dot_general3A_15 = tpu.matmul %add3A, %get3A_14, %dot_general3A {dimension_numbers = #tpu.dot_dimension_numbers<[1], [0], [0], [1], [0, 0, 1, 1], [], []>, transpose_lhs_hint = false} : vector<2000x128xf32>, vector<128x128xf32>, vector<2000x128xf32> -> vector<2000x128xf32>
    %add3A_16 = arith.addf %get3A_11, %dot_general3A_15 : vector<2000x128xf32>
    %max3A = arith.constant 0.000000e+00 : f32
    %max3A_17 = vector.broadcast %max3A : f32 to vector<2000x128xf32>
    %max3A_18 = arith.maximumf %add3A_16, %max3A_17 : vector<2000x128xf32>
    %get3A_19 = arith.constant 0 : index
    %get3A_20 = arith.constant 0 : index
    %get3A_21 = vector.load %arg5[%get3A_19, %get3A_20] : memref<128x128xf32, #tpu.memory_space<vmem>>, vector<128x128xf32>
    %dot_general3A_22 = arith.constant dense<0.000000e+00> : vector<2000x128xf32>
    %dot_general3A_23 = tpu.matmul %max3A_18, %get3A_21, %dot_general3A_22 {dimension_numbers = #tpu.dot_dimension_numbers<[1], [0], [0], [1], [0, 0, 1, 1], [], []>, transpose_lhs_hint = false} : vector<2000x128xf32>, vector<128x128xf32>, vector<2000x128xf32> -> vector<2000x128xf32>
    %get3A_24 = arith.constant 0 : index
    %get3A_25 = arith.constant 0 : index
    %get3A_26 = vector.load %arg6[%get3A_24, %get3A_25] : memref<1x128xf32, #tpu.memory_space<vmem>>, vector<1x128xf32>
    %add3A_27 = vector.broadcast %get3A_26 : vector<1x128xf32> to vector<2000x128xf32>
    %add3A_28 = arith.addf %dot_general3A_23, %add3A_27 : vector<2000x128xf32>
    %swap3A = arith.constant 0 : index
    %swap3A_29 = arith.constant 0 : index
    %swap3A_30 = vector.load %arg7[%swap3A, %swap3A_29] : memref<2000x128xf32, #tpu.memory_space<vmem>>, vector<2000x128xf32>
    tpu.vector_store %arg7[%swap3A, %swap3A_29], %add3A_28 {strides = array<i32>} : memref<2000x128xf32, #tpu.memory_space<vmem>>, vector<2000x128xf32>,
    return
  }
  func.func @transform_0(%arg0: i32) -> (i32, i32) {
    %c0_i32 = arith.constant 0 : i32
    %c0_i32_0 = arith.constant 0 : i32
    return %arg0, %c0_i32 : i32, i32
  }
  func.func @transform_1(%arg0: i32) -> (i32, i32, i32) {
    %c0_i32 = arith.constant 0 : i32
    %c0_i32_0 = arith.constant 0 : i32
    %c0_i32_1 = arith.constant 0 : i32
    return %c0_i32, %arg0, %c0_i32_0 : i32, i32, i32
  }
  func.func @transform_2(%arg0: i32) -> (i32, i32, i32) {
    %c1_i32 = arith.constant 1 : i32
    %c0_i32 = arith.constant 0 : i32
    %c0_i32_0 = arith.constant 0 : i32
    return %c1_i32, %arg0, %c0_i32 : i32, i32, i32
  }
  func.func @transform_3(%arg0: i32) -> (i32, i32) {
    %c0_i32 = arith.constant 0 : i32
    %c0_i32_0 = arith.constant 0 : i32
    %c0_i32_1 = arith.constant 0 : i32
    return %c0_i32, %c0_i32_0 : i32, i32
  }
  func.func @transform_4(%arg0: i32) -> (i32, i32) {
    %c0_i32 = arith.constant 0 : i32
    %c0_i32_0 = arith.constant 0 : i32
    %c0_i32_1 = arith.constant 0 : i32
    return %c0_i32, %c0_i32_0 : i32, i32
  }
  func.func @transform_5(%arg0: i32) -> (i32, i32) {
    %c0_i32 = arith.constant 0 : i32
    %c0_i32_0 = arith.constant 0 : i32
    %c0_i32_1 = arith.constant 0 : i32
    return %c0_i32, %c0_i32_0 : i32, i32
  }
  func.func @transform_6(%arg0: i32) -> (i32, i32) {
    %c0_i32 = arith.constant 0 : i32
    %c0_i32_0 = arith.constant 0 : i32
    return %arg0, %c0_i32 : i32, i32
  }
}

module attributes {stable_mosaic.version = 14 : i64} {
  func.func @_mlp_a_body(%arg0: i32, %arg1: memref<2000x128xf32, #tpu.memory_space<vmem>>, %arg2: memref<128x128xf32, #tpu.memory_space<vmem>>, %arg3: memref<1x128xf32, #tpu.memory_space<vmem>>, %arg4: memref<2000x128xf32, #tpu.memory_space<vmem>>) attributes {dimension_semantics = [#tpu.dimension_semantics<arbitrary>], iteration_bounds = array<i64: 5>, scalar_prefetch = 0 : i64, scratch_operands = 0 : i64, tpu.core_type = #tpu.core_type<tc>, window_params = [{transform_indices = @transform_0, window_bounds = array<i64: 2000, 128>}, {pipeline_mode = #tpu.pipeline_mode<synchronous>, transform_indices = @transform_1, window_bounds = array<i64: 128, 128>}, {pipeline_mode = #tpu.pipeline_mode<synchronous>, transform_indices = @transform_2, window_bounds = array<i64: 1, 128>}, {transform_indices = @transform_3, window_bounds = array<i64: 2000, 128>}]} {
    %get3A = arith.constant 0 : index
    %get3A_0 = arith.constant 0 : index
    %get3A_1 = vector.load %arg1[%get3A, %get3A_0] : memref<2000x128xf32, #tpu.memory_space<vmem>>, vector<2000x128xf32>
    %get3A_2 = arith.constant 0 : index
    %get3A_3 = arith.constant 0 : index
    %get3A_4 = vector.load %arg2[%get3A_2, %get3A_3] : memref<128x128xf32, #tpu.memory_space<vmem>>, vector<128x128xf32>
    %dot_general3A = arith.constant dense<0.000000e+00> : vector<2000x128xf32>
    %dot_general3A_5 = tpu.matmul %get3A_1, %get3A_4, %dot_general3A {dimension_numbers = #tpu.dot_dimension_numbers<[1], [0], [0], [1], [0, 0, 1, 1], [], []>, transpose_lhs_hint = false} : vector<2000x128xf32>, vector<128x128xf32>, vector<2000x128xf32> -> vector<2000x128xf32>
    %get3A_6 = arith.constant 0 : index
    %get3A_7 = arith.constant 0 : index
    %get3A_8 = vector.load %arg3[%get3A_6, %get3A_7] : memref<1x128xf32, #tpu.memory_space<vmem>>, vector<1x128xf32>
    %add3A = vector.broadcast %get3A_8 : vector<1x128xf32> to vector<2000x128xf32>
    %add3A_9 = arith.addf %dot_general3A_5, %add3A : vector<2000x128xf32>
    %swap3A = arith.constant 0 : index
    %swap3A_10 = arith.constant 0 : index
    %swap3A_11 = vector.load %arg4[%swap3A, %swap3A_10] : memref<2000x128xf32, #tpu.memory_space<vmem>>, vector<2000x128xf32>
    tpu.vector_store %arg4[%swap3A, %swap3A_10], %add3A_9 {strides = array<i32>} : memref<2000x128xf32, #tpu.memory_space<vmem>>, vector<2000x128xf32>,
    return
  }
  func.func @transform_0(%arg0: i32) -> (i32, i32) {
    %c0_i32 = arith.constant 0 : i32
    %c0_i32_0 = arith.constant 0 : i32
    return %arg0, %c0_i32 : i32, i32
  }
  func.func @transform_1(%arg0: i32) -> (i32, i32) {
    %c0_i32 = arith.constant 0 : i32
    %c0_i32_0 = arith.constant 0 : i32
    %c0_i32_1 = arith.constant 0 : i32
    return %c0_i32, %c0_i32_0 : i32, i32
  }
  func.func @transform_2(%arg0: i32) -> (i32, i32) {
    %c0_i32 = arith.constant 0 : i32
    %c0_i32_0 = arith.constant 0 : i32
    %c0_i32_1 = arith.constant 0 : i32
    return %c0_i32, %c0_i32_0 : i32, i32
  }
  func.func @transform_3(%arg0: i32) -> (i32, i32) {
    %c0_i32 = arith.constant 0 : i32
    %c0_i32_0 = arith.constant 0 : i32
    return %arg0, %c0_i32 : i32, i32
  }
}

</mosaic_0001>

<sc_bundles>
// kernel: kernel.5.cloned.1.call-start
scs
__scs_entry_jumppad:
0x0: {  	(pc) =	sbr.rel $0x88, $3  }
0x1: {  	(tag) =	ssettag $0x0;
	lr =	simm.s32 $0x1  }
0x2: {  	[smem:$0x3F9A] =	sst lr;
	_ =	strace $0xD0000000  }
0x3: {  	_ = 	snop  }
0x4: {  	_ = 	snop  }
0x5: {  	_ = 	snop  }
0x6: {  	_ = 	snop  }
0x7: {  	_ = 	snop  }
__scs_overlays_trampoline_lowered:
0x8: {  	[smem:$0x3FA9] =	sst s0  }
0x9: {  	[smem:$0x3FAA] =	sst s1  }
0xa: {  	[smem:$0x3FAB] =	sst s2  }
0xb: {  	[smem:$0x3FAC] =	sst s3  }
0xc: {  	[smem:$0x3FAD] =	sst s4  }
0xd: {  	[smem:$0x3FAE] =	sst s5  }
0xe: {  	[smem:$0x3FAF] =	sst s6  }
0xf: {  	[smem:$0x3FB0] =	sst s7  }
0x10: {  	[smem:$0x3FB1] =	sst s8  }
0x11: {  	[smem:$0x3FB2] =	sst s9;
	s0 =	simm.s32 @!p0 $0x0  }
0x12: {  	s1 =	sld [smem:$0x3F98];
	s0 =	simm.s32 @p0 $0x1  }
0x13: {  	[smem:$0x3FB3] =	sst s0;
	s0 =	simm.s32 @!p1 $0x0  }
0x14: {  	s2 =	sld [smem:$0x3F97];
	s0 =	simm.s32 @p1 $0x1  }
0x15: {  	[smem:$0x3FB4] =	sst s0;
	s0 =	simm.s32 @!p2 $0x0  }
0x16: {  	s3 =	sld [smem:$0x3FDB];
	s0 =	simm.s32 @p2 $0x1  }
0x17: {  	s4 =	simm.s32 $0x1BF5;
	[smem:$0x3FB6] =	sst s0  }
0x18: {  	s0 =	sld [smem:$0x3F99];
	_ =	swait.ge [sflag:s4], $0x0  }
0x19: {  	s7 =	sld [smem:$0x3F9A]  }
0x1a: {  	s8 =	sadd.s32 $0xFFFFE003, lr  }
0x1b: {  	s9 =	sadd.s32 $0xFFFFFEF7, lr;
	s5 =	simm.s32 $0xFFFFFFFF;
	p2 =	slt.u32 s8, $0xFFFFF086  }
0x1c: {  	p1 =	slt.u32 s9, $0xF7A;
	s5 =	simm.s32 @!p2 $0x0  }
0x1d: {  	s5 =	simm.s32 @p1 $0x1;
	p0 =	seq.s32 s7, s2  }
0x1e: {  	s7 =	smul.u32 @!p0 $0xF7A, s2;
	p2 =	seq.s32 @!p0 s5, $0x0  }
0x1f: {  	s9 =	smul.u32 $0xF7A, s1;
	s8 =	simm.s32 @!p0 $0x1BF5;
	p2 =	por !p2, p0  }
0x20: {  	[sflag:s8] =	ssyncset.s32 @!p0 $0xFFFFF086;
	s6 =	sadd.s32 @!p0 s3, s7;
	s7 =	simm.s32 @!p0 $0x108  }
0x21: {  	s3 =	sadd.s32 s3, s9;
	s6 =	sadd.s32 @!p0 $0x88, s6;
	s7 =	simm.s32 @p2 $0x1082  }
0x22: {  	[simem:s7], [sflag:s8] =	dma.local @!p0 [hbm:s6], $0xF7A  }
0x23: {  	s9 =	sor.u32 $0xD0000000, s2;
	s6 =	simm.s32 $0x108;
	_ =	swait.ge @!p0 [sflag:s8], $0x0  }
0x24: {  	s3 =	sadd.s32 $0x88, s3;
	s6 =	simm.s32 @!p1 $0x1082;
	[sflag:s4] =	ssyncset.s32 $0xFFFFF086  }
0x25: {  	[simem:s6], [sflag:s4] =	dma.local [hbm:s3], $0xF7A  }
0x26: {  	[smem:$0x3F9A] =	sst s1;
	(tag) =	ssettag s2;
	_ =	strace s9  }
0x27: {  	s1 =	sld [smem:$0x3FAA]  }
0x28: {  	s2 =	sld [smem:$0x3FAB]  }
0x29: {  	s4 =	sld [smem:$0x3FAD]  }
0x2a: {  	p0 =	seq.s32 s5, $0x0;
	s5 =	sld [smem:$0x3FAE]  }
0x2b: {  	s6 =	sld [smem:$0x3FAF]  }
0x2c: {  	s7 =	sld [smem:$0x3FB0]  }
0x2d: {  	s3 =	simm.s32 $0x108;
	s8 =	sld [smem:$0x3FB1]  }
0x2e: {  	s3 =	simm.s32 @!p0 $0x1082;
	s9 =	sld [smem:$0x3FB2]  }
0x2f: {  	lr =	sadd.s32 s0, s3;
	s0 =	sld [smem:$0x3FA9]  }
0x30: {  	s3 =	sld [smem:$0x3FAC]  }
0x31: {  	[smem:$0x3FB5] =	sst s10  }
0x32: {  	s10 =	sld [smem:$0x3FB3];
	_ =	sdelay $0x3  }
0x33: {  	p0 =	seq.s32 s10, $0x1;
	s10 =	sld [smem:$0x3FB5];
	_ =	sdelay $0x3  }
0x34: {  	[smem:$0x3FB5] =	sst s10  }
0x35: {  	s10 =	sld [smem:$0x3FB4];
	_ =	sdelay $0x3  }
0x36: {  	p1 =	seq.s32 s10, $0x1;
	s10 =	sld [smem:$0x3FB5];
	_ =	sdelay $0x3  }
0x37: {  	[smem:$0x3FB5] =	sst s10  }
0x38: {  	s10 =	sld [smem:$0x3FB6]  }
0x39: {  	_ = 	snop;
	(pc) =	sbr.ind lr, $3  }
0x3a: {  	_ = 	snop  }
0x3b: {  	_ = 	snop  }
0x3c: {  	p2 =	seq.s32 s10, $0x1;
	s10 =	sld [smem:$0x3FB5]  }
0x3d: {  	_ =	shalt  }
0x3e: {  	_ =	shalt  }
0x3f: {  	_ =	shalt  }
0x40: {  	_ =	shalt  }
0x41: {  	_ =	shalt  }
0x42: {  	_ =	shalt  }
0x43: {  	_ =	shalt  }
0x44: {  	_ =	shalt  }
0x45: {  	_ =	shalt  }
0x46: {  	_ =	shalt  }
0x47: {  	_ =	shalt  }
0x48: {  	_ =	shalt  }
0x49: {  	_ =	shalt  }
0x4a: {  	_ =	shalt  }
0x4b: {  	_ =	shalt  }
0x4c: {  	_ =	shalt  }
0x4d: {  	_ =	shalt  }
0x4e: {  	_ =	shalt  }
0x4f: {  	_ =	shalt  }
0x50: {  	_ =	shalt  }
0x51: {  	_ =	shalt  }
0x52: {  	_ =	shalt  }
0x53: {  	_ =	shalt  }
0x54: {  	_ =	shalt  }
0x55: {  	_ =	shalt  }
0x56: {  	_ =	shalt  }
0x57: {  	_ =	shalt  }
0x58: {  	_ =	shalt  }
0x59: {  	_ =	shalt  }
0x5a: {  	_ =	shalt  }
0x5b: {  	_ =	shalt  }
0x5c: {  	_ =	shalt  }
0x5d: {  	_ =	shalt  }
0x5e: {  	_ =	shalt  }
0x5f: {  	_ =	shalt  }
0x60: {  	_ =	shalt  }
0x61: {  	_ =	shalt  }
0x62: {  	_ =	shalt  }
0x63: {  	_ =	shalt  }
0x64: {  	_ =	shalt  }
0x65: {  	_ =	shalt  }
0x66: {  	_ =	shalt  }
0x67: {  	_ =	shalt  }
0x68: {  	_ =	shalt  }
0x69: {  	_ =	shalt  }
0x6a: {  	_ =	shalt  }
0x6b: {  	_ =	shalt  }
0x6c: {  	_ =	shalt  }
0x6d: {  	_ =	shalt  }
0x6e: {  	_ =	shalt  }
0x6f: {  	_ =	shalt  }
0x70: {  	_ =	shalt  }
0x71: {  	_ =	shalt  }
0x72: {  	_ =	shalt  }
0x73: {  	_ =	shalt  }
0x74: {  	_ =	shalt  }
0x75: {  	_ =	shalt  }
0x76: {  	_ =	shalt  }
0x77: {  	_ =	shalt  }
0x78: {  	_ =	shalt  }
0x79: {  	_ =	shalt  }
0x7a: {  	_ =	shalt  }
0x7b: {  	_ =	shalt  }
0x7c: {  	_ =	shalt  }
0x7d: {  	_ =	shalt  }
0x7e: {  	_ =	shalt  }
0x7f: {  	_ =	shalt  }
0x80: {  	_ =	shalt  }
0x81: {  	_ =	shalt  }
0x82: {  	_ =	shalt  }
0x83: {  	_ =	shalt  }
0x84: {  	_ =	shalt  }
0x85: {  	_ =	shalt  }
0x86: {  	_ =	shalt  }
0x87: {  	_ =	shalt  }
.Lfunc_end0:
.L_simem_size_0:
called_computation_lowered:
.L_overlay_start_0:
0x88: {  	s2 =	sld [smem:$0x3FD9]  }
0x89: {  	s3 =	sld [smem:$0x3FFE];
	_ =	sdelay $0x1  }
0x8a: {  	s1 =	srdreg.scid  }
0x8b: {  	s0 =	sand.u32 $0x1, s1  }
0x8c: {  	s17 =	sshll.u32 s0, $0xA;
	s2 =	sadd.s32 s3, s2  }
0x8d: {  	s2 =	sadd.s32 s2, s17  }
0x8e: {  	[smem:$0x3FC1] =	sst s2  }
0x8f: {  	_ = 	snop  }
0x90: {  	s2 =	sld [smem:$0x3FC7]  }
0x91: {  	s18 =	sld [smem:$0x3FD0];
	(tm) =	ssettm $0x1  }
0x92: {  	s4 =	sld [smem:$0x3FFB];
	_ =	sdelay $0x3  }
0x93: {  	_ =	strace s4  }
0x94: {  	s4 =	sld [smem:$0x3FFC];
	_ =	sdelay $0x3  }
0x95: {  	_ =	strace s4  }
0x96: {  	s4 =	sld [smem:$0x3FFD];
	_ =	sdelay $0x3  }
0x97: {  	_ =	strace s4  }
0x98: {  	_ =	strace $0x8FFFFFFF  }
0x99: {  	s19 =	sld [smem:$0x3FDB];
	_ =	sdelay $0x1  }
0x9a: {  	s5 =	simm.s32 $_scs_section_size  }
0x9b: {  	s6 =	simm.s32 $_size__tile_overlayer_lowered;
	s7 =	simm.s32 $_tile_overlayer_lowered  }
0x9c: {  	s22 =	simm.s32 $0x1BFF;
	s21 =	sshll.u32 s7, $0x1;
	s4 =	sadd.s32 s5, s19  }
0x9d: {  	s8 =	simm.s32 $0x0;
	s20 =	sshll.u32 s6, $0x1;
	s6 =	sadd.s32 s21, s4  }
0x9e: {  	[timem:s8], [sflag:s22] =	dma.local [hbm:s6], s20  }
0x9f: {  	_ =	swait.ge [sflag:s22], s20  }
0xa0: {  	s5 =	ssub.s32 $0x0, s20;
	[sflag:s22] =	ssyncset.done $0x0  }
0xa1: {  	[sflag:s22] =	ssyncadd.s32 s5;
	_ =	sdelay $0x1  }
0xa2: {  	s23 =	simm.s32 $0x1B8B  }
0xa3: {  	_ =	swait.ge [sflag:s23], $0x1  }
0xa4: {  	[sflag:s23] =	ssyncset.done $0x0  }
0xa5: {  	s25 =	simm.s32 $0x1B8E;
	s24 =	sld [smem:$0x3FFE];
	[sflag:s23] =	ssyncadd.s32 $0xFFFFFFFF  }
0xa6: {  	s26 =	simm.s32 $execute0_lowered;
	[smem:$0x3FD2] =	sst s25  }
0xa7: {  	s6 =	sshll.u32 s26, $0x1;
	_ =	strace $0x80000046;
	[dreg:$0x1] =	wrdreg $0xFFFFFFFF  }
0xa8: {  	s28 =	simm.s32 $_size_execute0_lowered;
	s4 =	sadd.s32 s4, s6;
	[dreg:$0x0] =	wrdreg $0x0  }
0xa9: {  	s6 =	sshll.u32 s28, $0x1;
	[dreg:$0x2] =	wrdreg s4  }
0xaa: {  	[dreg:$0x3] =	wrdreg s6  }
0xab: {  	[dreg:$0x4] =	wrdreg $0xC0  }
0xac: {  	_ =	task [dreg:s8], $0x5FFFF  }
0xad: {  	[dreg:$0x1] =	wrdreg $0xFFFFFFFF  }
0xae: {  	[dreg:$0x0] =	wrdreg $0x60  }
0xaf: {  	[dreg:$0x2] =	wrdreg s18  }
0xb0: {  	[dreg:$0x3] =	wrdreg s2  }
0xb1: {  	[dreg:$0x4] =	wrdreg s24  }
0xb2: {  	[dreg:$0x5] =	wrdreg $0xB4000  }
0xb3: {  	[dreg:$0x6] =	wrdreg $0x9  }
0xb4: {  	_ =	task.clear_ibuf [dreg:s8], $0x7FFFF;
	_ =	strace $0x90000046  }
0xb5: {  	s29 =	simm.s32 $0x9;
	_ =	strace $0x80000048  }
0xb6: {  	_ =	swait.ge [sflag:s29], $0x1  }
0xb7: {  	[sflag:s29] =	ssyncadd.s32 $0xFFFFFFFF  }
0xb8: {  	_ =	strace $0x90000048  }
0xb9: {  	_ =	sfence  }
0xba: {  	s30 =	sld [smem:$0x0];
	_ =	sdelay $0x2  }
0xbb: {  	s31 =	sshll.u32 s1, $0xD;
	s1 =	sshrl.u32 s1, $0x2  }
0xbc: {  	s3 =	sand.u32 $0x4000, s31;
	s1 =	sadd.s32 s1, s30  }
0xbd: {  	s0 =	sor.u32 s3, s0;
	s1 =	sshll.u32 s1, $0x11  }
0xbe: {  	s0 =	sor.u32 s1, s0  }
0xbf: {  	s0 =	sadd.s32 $0x8F2B, s0  }
0xc0: {  	[sflag:s0] =	ssyncadd.remote.s32 $0x1  }
0xc1: {  	_ =	sfence.sel $0xFFFF  }
0xc2: {  	[dreg:$0x0] =	wrdreg $0xFFFFFFFF;
	(pc) =	sbr.abs _section_cstart, $3  }
0xc3: {  	[dreg:$0x1] =	wrdreg $0xFFFFFFFF  }
0xc4: {  	_ =	task.clear_ibuf [dreg:s8], $0x2FFFF;
	_ =	strace $0x9FFFFFFF  }
0xc5: {  	(tm) =	ssettm $0x7FFFFFFF  }
tec
execute0_lowered:
.L_overlay_start_1:
0x0: {  	(tag) =	ssettag $0x1  }
0x1: {  	s0 =	rddreg [dreg:$0x0]  }
0x2: {  	s2 =	rddreg [dreg:$0x1]  }
0x3: {  	s3 =	rddreg [dreg:$0x2]  }
0x4: {  	s1 =	rddreg [dreg:$0x3];
	s11 =	stileid.u32  }
0x5: {  	s4 =	srdreg.scid;
	s9 =	smul.u32 $0x4E200, s11  }
0x6: {  	s8 =	simm.s32 $0x0;
	s4 =	sand.u32 $0x1, s4;
	s10 =	smul.u32 $0x13880, s11  }
0x7: {  	[smem:$0x7FF] =	sst s8;
	s25 =	smul.u32 $0x9C4, s11;
	s5 =	sshll.u32 s4, $0x4  }
0x8: {  	s6 =	smul.u32 $0x27100, s4;
	s7 =	ssub.s32 $0x2, s4;
	_ =	strace $0x80000047  }
0x9: {  	s4 =	smul.u32 $0x9C40, s4;
	s5 =	sor.u32 s11, s5;
	s16 =	sshrl.u32 s7, $0x1  }
0xa: {  	s9 =	sshrl.u32 s9, $0x2;
	s11 =	simm.s32 $0x2780;
	s5 =	smul.u32 $0x9C4, s5  }
0xb: {  	s3 =	sadd.s32 s6, s3;
	s6 =	ssub.s32 s7, s16;
	s4 =	sadd.s32 s25, s4  }
0xc: {  	s4 =	sshll.u32 s4, $0x6;
	s3 =	sadd.s32 $0xE00, s3;
	s17 =	sshrl.u32 s5, $0x5  }
0xd: {  	s18 =	sadd.s32 $0x9C4, s5;
	s5 =	sshrl.u32 s5, $0x1;
	s4 =	sand.u32 $0x7FF800, s4  }
0xe: {  	s8 =	sshrl.u32 s18, $0x5;
	s5 =	sand.u32 $0xFFF0, s5;
	s7 =	sshll.u32 s17, $0xB  }
0xf: {  	s18 =	sadd.s32 s4, s2;
	s4 =	smax.u32 s6, $0x1;
	s0 =	sadd.s32 s0, s5  }
0x10: {  	s8 =	ssub.s32 s8, s17;
	[dreg:$0x5] =	wrdreg s0;
	s0 =	sadd.s32 s9, s1  }
0x11: {  	s5 =	sadd.s32 s10, s1;
	s16 =	sadd.s32 s2, s7;
	s9 =	sadd.s32 $0xC80, s0  }
0x12: {  	s17 =	sshrl.u32 s10, $0x3;
	s19 =	sadd.s32 $0x1900, s0;
	[dreg:$0x6] =	wrdreg s9  }
0x13: {  	s6 =	sadd.s32 $0x1000, s18;
	s20 =	sadd.s32 $0x2580, s0;
	[dreg:$0x7] =	wrdreg s19  }
0x14: {  	s10 =	simm.s32 $0x1;
	s21 =	sadd.s32 $0x3200, s0;
	[dreg:$0x8] =	wrdreg s20  }
0x15: {  	p0 =	slt.s32 s8, $0x4F;
	s22 =	sadd.s32 $0x3E80, s0;
	[dreg:$0x9] =	wrdreg s21  }
0x16: {  	s2 =	sadd.s32 $0xFFFFFFFD, s8;
	s23 =	sadd.s32 $0x4B00, s0;
	[dreg:$0xa] =	wrdreg s22  }
0x17: {  	s7 =	sadd.s32 $0x800, s16;
	s24 =	sadd.s32 $0x5780, s0;
	[dreg:$0xb] =	wrdreg s23  }
0x18: {  	s26 =	sadd.s32 $0x6400, s0;
	s12 =	sadd.s32 $0x7080, s0;
	[dreg:$0xc] =	wrdreg s24  }
0x19: {  	s13 =	sadd.s32 $0x7D00, s0;
	s14 =	sadd.s32 $0x8980, s0;
	[dreg:$0xd] =	wrdreg s26  }
0x1a: {  	s15 =	sadd.s32 $0x9600, s0;
	s25 =	sadd.s32 $0xE100, s0;
	[dreg:$0xe] =	wrdreg s12  }
0x1b: {  	s28 =	sadd.s32 $0xFA00, s0;
	s29 =	sadd.s32 $0x10680, s0;
	[dreg:$0xf] =	wrdreg s13  }
0x1c: {  	s30 =	sadd.s32 $0x11300, s0;
	s31 =	sadd.s32 $0x11F80, s0;
	[dreg:$0x10] =	wrdreg s14  }
0x1d: {  	[dreg:$0x11] =	wrdreg s15;
	s19 =	sadd.s32 $0xA280, s0;
	s20 =	sadd.s32 s17, s3  }
0x1e: {  	s21 =	sadd.s32 $0xAF00, s0;
	s22 =	sadd.s32 $0xBB80, s0;
	[dreg:$0x18] =	wrdreg s25  }
0x1f: {  	s23 =	sadd.s32 $0xC800, s0;
	s24 =	sadd.s32 $0xD480, s0;
	[dreg:$0x12] =	wrdreg s19  }
0x20: {  	s26 =	sadd.s32 $0xED80, s0;
	s0 =	sadd.s32 $0x12C00, s0;
	[dreg:$0x13] =	wrdreg s20  }
0x21: {  	s3 =	sadd.s32 $0xFFFFFFFE, s8;
	s8 =	simm.s32 $0xA780;
	[dreg:$0x14] =	wrdreg s21  }
0x22: {  	s9 =	simm.s32 $0x2;
	s12 =	simm.s32 $0x6780;
	[dreg:$0x15] =	wrdreg s22  }
0x23: {  	s13 =	simm.s32 $0x3;
	s14 =	simm.s32 $0x80;
	[dreg:$0x16] =	wrdreg s23  }
0x24: {  	s15 =	simm.s32 $0x5;
	s17 =	simm.s32 $0x0;
	[dreg:$0x17] =	wrdreg s24  }
0x25: {  	v0 =	vimm.f32 $0.0e+00;
	[dreg:$0x19] =	wrdreg s26;
	s26 =	smov.u32 s16;
	s16 =	simm.s32 $0x4  }
.LBB2_1:
0x26: {  	s18 =	simm.s32 $0x0;
	s19 =	rddreg [dreg:$0x5]  }
0x27: {  	[tilespmem:s18], [sflag:$0x1] =	stream.linear.gather [hbm4b:s19+s18], $0x2780, $0x38;
	[tilespmem:$0x1EC80] =	vst v63  }
0x28: {  	s20 =	simm.s32 $0x200;
	s19 =	simm.s32 $0x0  }
.LBB2_2:
0x29: {  	p1 =	sne.s32 s20, $0x3000;
	[tilespmem:s19+$0xA7F0] =	vst v0  }
0x2a: {  	[tilespmem:s19+$0xA780] =	vst v0  }
0x2b: {  	[tilespmem:s19+$0xA790] =	vst v0  }
.Ltmp0:
0x2c: {  	[tilespmem:s19+$0xA7A0] =	vst v0;
	(pc) =	sbr.rel @p1 .LBB2_2-.Ltmp0, $4  }
0x2d: {  	[tilespmem:s19+$0xA7B0] =	vst v0  }
0x2e: {  	[tilespmem:s19+$0xA7C0] =	vst v0  }
0x2f: {  	[tilespmem:s19+$0xA7D0] =	vst v0  }
0x30: {  	[tilespmem:s19+$0xA7E0] =	vst v0;
	s19 =	sshra.s32 s20, $0x2;
	s20 =	sadd.s32 $0x200, s20  }
0x31: {  	[tilespmem:s19+$0xA7F0] =	vst v0  }
0x32: {  	[tilespmem:s19+$0xA780] =	vst v0  }
0x33: {  	[tilespmem:s19+$0xA790] =	vst v0  }
0x34: {  	[tilespmem:s19+$0xA7A0] =	vst v0  }
0x35: {  	[tilespmem:s19+$0xA7B0] =	vst v0  }
0x36: {  	[tilespmem:s19+$0xA7C0] =	vst v0  }
0x37: {  	[tilespmem:s19+$0xA7D0] =	vst v0  }
0x38: {  	[tilespmem:s19+$0xA7E0] =	vst v0  }
0x39: {  	[spmem:s5] =	stream.linear.scatter [tilespmem:s8], [sflag:$0x2], $0xC80, $0x38;
	[tilespmem:$0x1EC80] =	vst v63  }
0x3a: {  	s18 =	rddreg [dreg:$0x6]  }
0x3b: {  	[spmem:s18] =	stream.linear.scatter [tilespmem:s8], [sflag:$0x2], $0xC80, $0x38;
	[tilespmem:$0x1EC80] =	vst v63  }
0x3c: {  	s20 =	rddreg [dreg:$0x7]  }
0x3d: {  	[spmem:s20] =	stream.linear.scatter [tilespmem:s8], [sflag:$0x2], $0xC80, $0x38;
	[tilespmem:$0x1EC80] =	vst v63  }
0x3e: {  	s21 =	rddreg [dreg:$0x8]  }
0x3f: {  	[spmem:s21] =	stream.linear.scatter [tilespmem:s8], [sflag:$0x2], $0xC80, $0x38;
	[tilespmem:$0x1EC80] =	vst v63  }
0x40: {  	s22 =	rddreg [dreg:$0x9]  }
0x41: {  	[spmem:s22] =	stream.linear.scatter [tilespmem:s8], [sflag:$0x2], $0xC80, $0x38;
	[tilespmem:$0x1EC80] =	vst v63  }
0x42: {  	s23 =	rddreg [dreg:$0xa]  }
0x43: {  	[spmem:s23] =	stream.linear.scatter [tilespmem:s8], [sflag:$0x2], $0xC80, $0x38;
	[tilespmem:$0x1EC80] =	vst v63  }
0x44: {  	s24 =	rddreg [dreg:$0xb]  }
0x45: {  	[spmem:s24] =	stream.linear.scatter [tilespmem:s8], [sflag:$0x2], $0xC80, $0x38;
	[tilespmem:$0x1EC80] =	vst v63  }
0x46: {  	s25 =	rddreg [dreg:$0xc]  }
0x47: {  	[spmem:s25] =	stream.linear.scatter [tilespmem:s8], [sflag:$0x2], $0xC80, $0x38;
	[tilespmem:$0x1EC80] =	vst v63  }
0x48: {  	s19 =	rddreg [dreg:$0xd]  }
0x49: {  	[spmem:s19] =	stream.linear.scatter [tilespmem:s8], [sflag:$0x2], $0xC80, $0x38;
	[tilespmem:$0x1EC80] =	vst v63  }
0x4a: {  	s20 =	rddreg [dreg:$0xe]  }
0x4b: {  	[spmem:s20] =	stream.linear.scatter [tilespmem:s8], [sflag:$0x2], $0xC80, $0x38;
	[tilespmem:$0x1EC80] =	vst v63  }
0x4c: {  	s21 =	rddreg [dreg:$0xf]  }
0x4d: {  	[spmem:s21] =	stream.linear.scatter [tilespmem:s8], [sflag:$0x2], $0xC80, $0x38;
	[tilespmem:$0x1EC80] =	vst v63  }
0x4e: {  	s22 =	rddreg [dreg:$0x10]  }
0x4f: {  	[spmem:s22] =	stream.linear.scatter [tilespmem:s8], [sflag:$0x2], $0xC80, $0x38;
	[tilespmem:$0x1EC80] =	vst v63  }
0x50: {  	s23 =	rddreg [dreg:$0x11]  }
0x51: {  	[spmem:s23] =	stream.linear.scatter [tilespmem:s8], [sflag:$0x2], $0xC80, $0x38;
	[tilespmem:$0x1EC80] =	vst v63  }
0x52: {  	s24 =	rddreg [dreg:$0x12]  }
0x53: {  	[spmem:s24] =	stream.linear.scatter [tilespmem:s8], [sflag:$0x2], $0xC80, $0x38;
	[tilespmem:$0x1EC80] =	vst v63  }
0x54: {  	s25 =	rddreg [dreg:$0x14]  }
0x55: {  	[spmem:s25] =	stream.linear.scatter [tilespmem:s8], [sflag:$0x2], $0xC80, $0x38;
	[tilespmem:$0x1EC80] =	vst v63  }
0x56: {  	s19 =	rddreg [dreg:$0x15]  }
0x57: {  	[spmem:s19] =	stream.linear.scatter [tilespmem:s8], [sflag:$0x2], $0xC80, $0x38;
	[tilespmem:$0x1EC80] =	vst v63  }
0x58: {  	s20 =	rddreg [dreg:$0x16]  }
0x59: {  	[spmem:s20] =	stream.linear.scatter [tilespmem:s8], [sflag:$0x2], $0xC80, $0x38;
	[tilespmem:$0x1EC80] =	vst v63  }
0x5a: {  	s21 =	rddreg [dreg:$0x17]  }
0x5b: {  	[spmem:s21] =	stream.linear.scatter [tilespmem:s8], [sflag:$0x2], $0xC80, $0x38;
	[tilespmem:$0x1EC80] =	vst v63  }
0x5c: {  	s22 =	rddreg [dreg:$0x18]  }
0x5d: {  	[spmem:s22] =	stream.linear.scatter [tilespmem:s8], [sflag:$0x2], $0xC80, $0x38;
	[tilespmem:$0x1EC80] =	vst v63  }
0x5e: {  	s23 =	rddreg [dreg:$0x19]  }
0x5f: {  	[spmem:s23] =	stream.linear.scatter [tilespmem:s8], [sflag:$0x2], $0xC80, $0x38;
	[tilespmem:$0x1EC80] =	vst v63  }
0x60: {  	_ = 	snop  }
0x61: {  	[spmem:s28] =	stream.linear.scatter [tilespmem:s8], [sflag:$0x2], $0xC80, $0x38;
	[tilespmem:$0x1EC80] =	vst v63  }
0x62: {  	_ = 	snop  }
0x63: {  	[spmem:s29] =	stream.linear.scatter [tilespmem:s8], [sflag:$0x2], $0xC80, $0x38;
	[tilespmem:$0x1EC80] =	vst v63  }
0x64: {  	_ = 	snop  }
0x65: {  	[spmem:s30] =	stream.linear.scatter [tilespmem:s8], [sflag:$0x2], $0xC80, $0x38;
	[tilespmem:$0x1EC80] =	vst v63  }
0x66: {  	_ = 	snop  }
0x67: {  	[spmem:s31] =	stream.linear.scatter [tilespmem:s8], [sflag:$0x2], $0xC80, $0x38;
	[tilespmem:$0x1EC80] =	vst v63  }
0x68: {  	_ = 	snop  }
0x69: {  	[spmem:s0] =	stream.linear.scatter [tilespmem:s8], [sflag:$0x2], $0xC80, $0x38;
	[tilespmem:$0x1EC80] =	vst v63  }
0x6a: {  	_ =	swait.ge [sflag:s9], $0xC80  }
0x6b: {  	[sflag:s9] =	ssyncset.done $0x0  }
0x6c: {  	[sflag:s9] =	ssyncadd.s32 $0xFFFFF380  }
0x6d: {  	_ =	swait.ge [sflag:s9], $0xC80  }
0x6e: {  	[sflag:s9] =	ssyncset.done $0x0  }
0x6f: {  	[sflag:s9] =	ssyncadd.s32 $0xFFFFF380  }
0x70: {  	_ =	swait.ge [sflag:s9], $0xC80  }
0x71: {  	[sflag:s9] =	ssyncset.done $0x0  }
0x72: {  	[sflag:s9] =	ssyncadd.s32 $0xFFFFF380  }
0x73: {  	_ =	swait.ge [sflag:s9], $0xC80  }
0x74: {  	[sflag:s9] =	ssyncset.done $0x0  }
0x75: {  	[sflag:s9] =	ssyncadd.s32 $0xFFFFF380  }
0x76: {  	_ =	swait.ge [sflag:s9], $0xC80  }
0x77: {  	[sflag:s9] =	ssyncset.done $0x0  }
0x78: {  	[sflag:s9] =	ssyncadd.s32 $0xFFFFF380  }
0x79: {  	_ =	swait.ge [sflag:s9], $0xC80  }
0x7a: {  	[sflag:s9] =	ssyncset.done $0x0  }
0x7b: {  	[sflag:s9] =	ssyncadd.s32 $0xFFFFF380  }
0x7c: {  	_ =	swait.ge [sflag:s9], $0xC80  }
0x7d: {  	[sflag:s9] =	ssyncset.done $0x0  }
0x7e: {  	[sflag:s9] =	ssyncadd.s32 $0xFFFFF380  }
0x7f: {  	_ =	swait.ge [sflag:s9], $0xC80  }
0x80: {  	[sflag:s9] =	ssyncset.done $0x0  }
0x81: {  	[sflag:s9] =	ssyncadd.s32 $0xFFFFF380  }
0x82: {  	_ =	swait.ge [sflag:s9], $0xC80  }
0x83: {  	[sflag:s9] =	ssyncset.done $0x0  }
0x84: {  	[sflag:s9] =	ssyncadd.s32 $0xFFFFF380  }
0x85: {  	_ =	swait.ge [sflag:s9], $0xC80  }
0x86: {  	[sflag:s9] =	ssyncset.done $0x0  }
0x87: {  	[sflag:s9] =	ssyncadd.s32 $0xFFFFF380  }
0x88: {  	_ =	swait.ge [sflag:s9], $0xC80  }
0x89: {  	[sflag:s9] =	ssyncset.done $0x0  }
0x8a: {  	[sflag:s9] =	ssyncadd.s32 $0xFFFFF380  }
0x8b: {  	_ =	swait.ge [sflag:s9], $0xC80  }
0x8c: {  	[sflag:s9] =	ssyncset.done $0x0  }
0x8d: {  	[sflag:s9] =	ssyncadd.s32 $0xFFFFF380  }
0x8e: {  	_ =	swait.ge [sflag:s9], $0xC80  }
0x8f: {  	[sflag:s9] =	ssyncset.done $0x0  }
0x90: {  	[sflag:s9] =	ssyncadd.s32 $0xFFFFF380  }
0x91: {  	_ =	swait.ge [sflag:s9], $0xC80  }
0x92: {  	[sflag:s9] =	ssyncset.done $0x0  }
0x93: {  	[sflag:s9] =	ssyncadd.s32 $0xFFFFF380  }
0x94: {  	_ =	swait.ge [sflag:s9], $0xC80  }
0x95: {  	[sflag:s9] =	ssyncset.done $0x0  }
0x96: {  	[sflag:s9] =	ssyncadd.s32 $0xFFFFF380  }
0x97: {  	_ =	swait.ge [sflag:s9], $0xC80  }
0x98: {  	[sflag:s9] =	ssyncset.done $0x0  }
0x99: {  	[sflag:s9] =	ssyncadd.s32 $0xFFFFF380  }
0x9a: {  	_ =	swait.ge [sflag:s9], $0xC80  }
0x9b: {  	[sflag:s9] =	ssyncset.done $0x0  }
0x9c: {  	[sflag:s9] =	ssyncadd.s32 $0xFFFFF380  }
0x9d: {  	_ =	swait.ge [sflag:s9], $0xC80  }
0x9e: {  	[sflag:s9] =	ssyncset.done $0x0  }
0x9f: {  	[sflag:s9] =	ssyncadd.s32 $0xFFFFF380  }
0xa0: {  	_ =	swait.ge [sflag:s9], $0xC80  }
0xa1: {  	[sflag:s9] =	ssyncset.done $0x0  }
0xa2: {  	[sflag:s9] =	ssyncadd.s32 $0xFFFFF380  }
0xa3: {  	_ =	swait.ge [sflag:s9], $0xC80  }
0xa4: {  	[sflag:s9] =	ssyncset.done $0x0  }
0xa5: {  	[sflag:s9] =	ssyncadd.s32 $0xFFFFF380  }
0xa6: {  	_ =	swait.ge [sflag:s9], $0xC80  }
0xa7: {  	[sflag:s9] =	ssyncset.done $0x0  }
0xa8: {  	[sflag:s9] =	ssyncadd.s32 $0xFFFFF380  }
0xa9: {  	_ =	swait.ge [sflag:s9], $0xC80  }
0xaa: {  	[sflag:s9] =	ssyncset.done $0x0  }
0xab: {  	[sflag:s9] =	ssyncadd.s32 $0xFFFFF380  }
0xac: {  	_ =	swait.ge [sflag:s9], $0xC80  }
0xad: {  	[sflag:s9] =	ssyncset.done $0x0  }
0xae: {  	[sflag:s9] =	ssyncadd.s32 $0xFFFFF380  }
0xaf: {  	_ =	swait.ge [sflag:s9], $0xC80  }
0xb0: {  	[sflag:s9] =	ssyncset.done $0x0  }
0xb1: {  	[sflag:s9] =	ssyncadd.s32 $0xFFFFF380  }
0xb2: {  	_ =	swait.ge [sflag:s9], $0xC80  }
0xb3: {  	[sflag:s9] =	ssyncset.done $0x0  }
0xb4: {  	[sflag:s9] =	ssyncadd.s32 $0xFFFFF380  }
0xb5: {  	_ =	swait.ge [sflag:s10], $0x2780  }
0xb6: {  	[sflag:s10] =	ssyncset.done $0x0  }
0xb7: {  	[sflag:s10] =	ssyncadd.s32 $0xFFFFD880  }
0xb8: {  	s24 =	simm.s32 $0x0;
	[bflag:$0x0] =	sbarrier.arrive $0xFFFF  }
0xb9: {  	[tilespmem:s11], [sflag:$0x3] =	stream.linear.gather [hbm4b:s26+s24], $0x4000, $0x38;
	[tilespmem:$0x1EC80] =	vst v63  }
0xba: {  	_ = 	snop  }
0xbb: {  	[tilespmem:s12], [sflag:$0x4] =	stream.linear.gather [hbm4b:s7+s24], $0x4000, $0x38;
	[tilespmem:$0x1EC80] =	vst v63  }
0xbc: {  	_ =	swait.ge [sflag:s13], $0x4000  }
0xbd: {  	[sflag:s13] =	ssyncset.done $0x0  }
0xbe: {  	[sflag:s13] =	ssyncadd.s32 $0xFFFFC000  }
0xbf: {  	[spmem:s1] =	stream.indirect.scatter.add.f32 [tilespmem:s11], [sflag:$0x5], $0x80, s24, s14, $0xb8;
	[tilespmem:$0x1EC80] =	vst v63  }
0xc0: {  	_ =	swait.ge [sflag:s15], $0x4000  }
0xc1: {  	p1 =	sle.s32 s3, $0x0;
	[sflag:s15] =	ssyncset.done $0x0  }
0xc2: {  	s18 =	simm.s32 @!p1 $0x0;
	s19 =	simm.s32 @!p1 $0x2780;
	[sflag:s15] =	ssyncadd.s32 $0xFFFFC000  }
0xc3: {  	[tilespmem:s19], [sflag:$0x3] =	stream.linear.gather @!p1 [hbm4b:s6+s18], $0x4000, $0x38;
	[tilespmem:$0x1EC80] =	vst v63  }
0xc4: {  	_ =	swait.ge [sflag:s16], $0x4000  }
0xc5: {  	p2 =	sle.s32 s2, $0x0;
	[sflag:s16] =	ssyncset.done $0x0  }
0xc6: {  	s25 =	simm.s32 $0x80;
	s20 =	sadd.s32 $0x1000, s6;
	[sflag:s16] =	ssyncadd.s32 $0xFFFFC000  }
0xc7: {  	[spmem:s1] =	stream.indirect.scatter.add.f32 [tilespmem:s12], [sflag:$0x5], $0x80, s25, s14, $0xb8;
	[tilespmem:$0x1EC80] =	vst v63  }
0xc8: {  	s21 =	simm.s32 $0x100;
	s22 =	simm.s32 @!p2 $0x0;
	_ =	swait.ge [sflag:s15], $0x4000  }
0xc9: {  	s19 =	simm.s32 $0x2;
	s18 =	sadd.s32 @!p2 $0x800, s6;
	[sflag:s15] =	ssyncset.done $0x0  }
.LBB2_4:
0xca: {  	[sflag:s15] =	ssyncadd.s32 $0xFFFFC000;
	s23 =	simm.s32 @!p2 $0x6780  }
0xcb: {  	s24 =	smov.u32 s19;
	s19 =	sadd.s32 $0x2, s19;
	s25 =	smov.u32 s20  }
0xcc: {  	[tilespmem:s23], [sflag:$0x4] =	stream.linear.gather @!p2 [hbm4b:s18+s22], $0x4000, $0x38;
	[tilespmem:$0x1EC80] =	vst v63  }
0xcd: {  	p1 =	sne.s32 s19, $0x4E;
	_ =	swait.ge [sflag:s13], $0x4000  }
0xce: {  	[sflag:s13] =	ssyncset.done $0x0  }
0xcf: {  	[sflag:s13] =	ssyncadd.s32 $0xFFFFC000  }
0xd0: {  	[spmem:s1] =	stream.indirect.scatter.add.f32 [tilespmem:s11], [sflag:$0x5], $0x80, s21, s14, $0xb8;
	[tilespmem:$0x1EC80] =	vst v63  }
0xd1: {  	p2 =	sge.s32 s24, s3;
	_ =	swait.ge [sflag:s15], $0x4000  }
0xd2: {  	s18 =	simm.s32 @!p2 $0x0;
	s22 =	simm.s32 @!p2 $0x2780;
	[sflag:s15] =	ssyncset.done $0x0  }
0xd3: {  	[sflag:s15] =	ssyncadd.s32 $0xFFFFC000  }
0xd4: {  	[tilespmem:s22], [sflag:$0x3] =	stream.linear.gather @!p2 [hbm4b:s20+s18], $0x4000, $0x38;
	[tilespmem:$0x1EC80] =	vst v63  }
0xd5: {  	_ =	swait.ge [sflag:s16], $0x4000  }
.Ltmp1:
0xd6: {  	s18 =	sadd.s32 $0x80, s21;
	[sflag:s16] =	ssyncset.done $0x0;
	(pc) =	sbr.rel @p1 .LBB2_4-.Ltmp1, $4  }
0xd7: {  	s20 =	sadd.s32 $0x1000, s20;
	[sflag:s16] =	ssyncadd.s32 $0xFFFFC000  }
0xd8: {  	[spmem:s1] =	stream.indirect.scatter.add.f32 [tilespmem:s12], [sflag:$0x5], $0x80, s18, s14, $0xb8;
	[tilespmem:$0x1EC80] =	vst v63  }
0xd9: {  	p2 =	sge.s32 s24, s2;
	s21 =	sadd.s32 $0x100, s21;
	_ =	swait.ge [sflag:s15], $0x4000  }
0xda: {  	s22 =	simm.s32 @!p2 $0x0;
	s18 =	sadd.s32 @!p2 $0x800, s25;
	[sflag:s15] =	ssyncset.done $0x0  }
0xdb: {  	[sflag:s15] =	ssyncadd.s32 $0xFFFFC000;
	s19 =	simm.s32 @!p2 $0x6780  }
0xdc: {  	[tilespmem:s19], [sflag:$0x4] =	stream.linear.gather @!p2 [hbm4b:s18+s22], $0x4000, $0x38;
	[tilespmem:$0x1EC80] =	vst v63  }
0xdd: {  	s18 =	simm.s32 @!p0 $0x3  }
0xde: {  	_ =	swait.ge @!p0 [sflag:s18], $0x4000  }
0xdf: {  	s20 =	simm.s32 @!p0 $0x2780;
	[sflag:s18] =	ssyncset.done @!p0 $0x0  }
0xe0: {  	s19 =	simm.s32 @!p0 $0x2700;
	[sflag:s18] =	ssyncadd.s32 @!p0 $0xFFFFC000;
	s18 =	simm.s32 @!p0 $0x80  }
0xe1: {  	[spmem:s1] =	stream.indirect.scatter.add.f32 @!p0 [tilespmem:s20], [sflag:$0x5], $0x80, s19, s18, $0xb8;
	[tilespmem:$0x1EC80] =	vst v63  }
0xe2: {  	s18 =	simm.s32 @!p0 $0x5  }
0xe3: {  	_ =	swait.ge @!p0 [sflag:s18], $0x4000  }
0xe4: {  	s23 =	stileid.u32;
	[sflag:s18] =	ssyncset.done @!p0 $0x0  }
0xe5: {  	s24 =	sshrl.u32 s5, $0x3;
	s17 =	sadd.s32 $0x1, s17;
	[sflag:s18] =	ssyncadd.s32 @!p0 $0xFFFFC000  }
0xe6: {  	p1 =	sne.s32 s17, s4;
	s18 =	sshll.u32 s23, $0x6;
	[bflag:$0x0] =	sbarrier.arrive $0xFFFF  }
.Ltmp2:
0xe7: {  	s18 =	sor.u32 $0x1C05, s18;
	s25 =	rddreg [dreg:$0x13];
	(pc) =	sbr.rel @p1 .LBB2_1-.Ltmp2, $4  }
0xe8: {  	[hbm:s25], [sflag:s18] =	dma.local [spmem:s24], $0x2710  }
0xe9: {  	_ =	swait.ge [sflag:s15], $0x2710  }
0xea: {  	[sflag:s15] =	ssyncset.done $0x0  }
0xeb: {  	[sflag:s15] =	ssyncadd.s32 $0xFFFFD8F0  }
0xec: {  	_ =	sfence.sel $0x180000  }
0xed: {  	[bflag:$0x0] =	sbarrier.arrive $0xFFFF  }
0xee: {  	_ =	strace $0x90000047  }
0xef: {  	s0 =	stileid.u32;
	[bflag:$0x2] =	sbarrier.arrive $0xFFFF  }
0xf0: {  	p0 =	sne.s32 s0, $0x0;
	s0 =	rddreg [dreg:$0x4]  }
0xf1: {  	s0 =	sadd.s32 @!p0 $0x100000, s0  }
0xf2: {  	[sflag:s0] =	ssyncadd.tile.s32 @!p0 $0x1;
	_ =	shalt  }
.Lfunc_end2:
_tile_overlayer_lowered:
.L_overlay_start_2:
0xf3: {  	(tag) =	ssettag $0x2  }
0xf4: {  	s0 =	rddreg [dreg:$0x0];
	s2 =	stileid.u32  }
0xf5: {  	s1 =	rddreg [dreg:$0x1];
	p0 =	sne.s32 s2, $0x0  }
0xf6: {  	s3 =	rddreg [dreg:$0x2];
	[bflag:$0x3] =	sbarrier.arrive $0xFFFF;
	s2 =	simm.s32 @!p0 $0x1C05  }
0xf7: {  	[timem:s3], [sflag:s2] =	dma.local @!p0 [hbm:s0], s1  }
0xf8: {  	s0 =	simm.s32 @!p0 $0x5  }
0xf9: {  	_ =	swait.ge @!p0 [sflag:s0], s1  }
0xfa: {  	s1 =	ssub.s32 @!p0 $0x0, s1;
	[sflag:s0] =	ssyncset.done @!p0 $0x0  }
0xfb: {  	[sflag:s0] =	ssyncadd.s32 @!p0 s1  }
0xfc: {  	[bflag:$0x3] =	sbarrier.arrive $0xFFFF  }
0xfd: {  	_ =	shalt  }

</sc_bundles>
